<compile_context>
chip_gen: v7x
topology: tpu7x:2x2x1
jax: 0.10.2.dev20260603
libtpu: 0.0.44.dev20260713+nightly
codegen_flags: <defaults>
</compile_context>

<pallas_src>
import functools

import jax
import jax.numpy as jnp
from jax import lax
from jax.experimental import pallas as pl
from jax.experimental.pallas import tpu as pltpu
from jax.experimental.pallas import tpu_sc as plsc

_CHUNK = 128
_NBUF = 8


@functools.cache
def _make_gather(num_chunks_total: int, dim: int):
    info = plsc.get_sparse_core_info()
    ncores, nsub = info.num_cores, info.num_subcores
    nw = ncores * nsub
    chunks_per_w = num_chunks_total // nw

    mesh = plsc.VectorSubcoreMesh(core_axis_name="c", subcore_axis_name="s")

    @functools.partial(
        pl.kernel,
        mesh=mesh,
        compiler_params=pltpu.CompilerParams(use_tc_tiling_on_sc=False),
        out_type=jax.ShapeDtypeStruct((num_chunks_total * _CHUNK, dim), jnp.float32),
        scratch_types=[
            pltpu.VMEM((chunks_per_w, _CHUNK), jnp.int32),
            pltpu.VMEM((_NBUF, _CHUNK, dim), jnp.float32),
        ]
        + [pltpu.SemaphoreType.DMA] * (2 * _NBUF),
    )
    def emb(idx_hbm, table_hbm, out_hbm, idx_v, rows_v, *sems):
        gsems, osems = sems[:_NBUF], sems[_NBUF:]
        wid = lax.axis_index("s") * ncores + lax.axis_index("c")
        chunk0 = wid * chunks_per_w
        pltpu.sync_copy(idx_hbm.at[pl.ds(chunk0, chunks_per_w)], idx_v)

        def gather(j, b):
            pltpu.async_copy(table_hbm.at[idx_v.at[j]], rows_v.at[b], gsems[b])

        def gather_wait(b):
            pltpu.make_async_copy(
                table_hbm.at[pl.ds(0, _CHUNK)], rows_v.at[b], gsems[b]
            ).wait()

        def store(j, b):
            pltpu.async_copy(
                rows_v.at[b],
                out_hbm.at[pl.ds((chunk0 + j) * _CHUNK, _CHUNK)],
                osems[b],
            )

        def store_wait(b):
            pltpu.make_async_copy(
                rows_v.at[b], out_hbm.at[pl.ds(0, _CHUNK)], osems[b]
            ).wait()

        for b in range(_NBUF):
            gather(b, b)

        gather_wait(0)
        store(0, 0)

        @pl.loop(1, chunks_per_w - _NBUF + 1, step=_NBUF)
        def _(g):
            for u in range(_NBUF):
                j = g + u
                bp = u
                b = (u + 1) % _NBUF
                store_wait(bp)
                gather(j + _NBUF - 1, bp)
                gather_wait(b)
                store(j, b)

        for j in range(chunks_per_w - _NBUF + 1, chunks_per_w):
            b = j % _NBUF
            gather_wait(b)
            store(j, b)
        for j in range(chunks_per_w - _NBUF, chunks_per_w):
            store_wait(j % _NBUF)

    return emb


def kernel(token_ids, weight):
    shape = token_ids.shape
    dim = weight.shape[1]
    flat = token_ids.reshape(-1).astype(jnp.int32)
    n = flat.shape[0]
    block = _CHUNK * 32
    pad = (-n) % block
    if pad:
        flat = jnp.concatenate([flat, jnp.zeros((pad,), jnp.int32)])
    num_chunks = (n + pad) // _CHUNK
    idx2d = flat.reshape(num_chunks, _CHUNK)
    out = _make_gather(num_chunks, dim)(idx2d, weight)
    if pad:
        out = out[:n]
    return out.reshape(*shape, dim)

# --- scband reference (transcript-rebuilt; emitter-appended) ---
"""Pipeline reference for scband-embedding-3264175145619 (READ-ONLY COPY).

The authoritative reference and input builder live on the scoring server;
editing this copy changes nothing except your own understanding.
"""

import jax, jax.numpy as jnp
import numpy as np

NUM_EMBEDDINGS = 1000000
EMBEDDING_DIM = 64

def setup_inputs(seed: int = 0) -> dict:
    key = jax.random.key(seed)
    k1, k2 = jax.random.split(key)
    token_ids = jax.random.randint(k1, (16384, 50), 0, NUM_EMBEDDINGS, dtype=jnp.int64 if jax.config.jax_enable_x64 else jnp.int32)
    # trunc_normal init (std=1.0, clipped to [-3, 3]) approximated via clipped normal
    weight = jnp.clip(jax.random.normal(k2, (NUM_EMBEDDINGS, EMBEDDING_DIM), dtype=jnp.float32), -3.0, 3.0)
    return {"token_ids": token_ids, "weight": weight}

def reference(token_ids, weight):
    # Faithful translation of: return self.weight[token_ids]
    return jnp.take(weight, token_ids, axis=0)

if __name__ == "__main__":
    import jax
    _d = setup_inputs()
    print(jax.jit(kernel)(*tuple(_d.values())))

</pallas_src>

<mosaic_0001>
#map = affine_map<(d0, d1) -> (0, 0)>
module attributes {stable_mosaic.version = 14 : i64} {
  func.func @emb(%arg0: i32, %arg1: i32, %arg2: memref<6400x128xi32, #tpu.memory_space<hbm>>, %arg3: memref<1000000x64xf32, #tpu.memory_space<hbm>>, %arg4: memref<819200x64xf32, #tpu.memory_space<hbm>>, %arg5: memref<200x128xi32, #tpu.memory_space<vmem>>, %arg6: memref<8x128x64xf32, #tpu.memory_space<vmem>>, %arg7: memref<!tpu.dma_semaphore, #tpu.memory_space<semaphore_mem>>, %arg8: memref<!tpu.dma_semaphore, #tpu.memory_space<semaphore_mem>>, %arg9: memref<!tpu.dma_semaphore, #tpu.memory_space<semaphore_mem>>, %arg10: memref<!tpu.dma_semaphore, #tpu.memory_space<semaphore_mem>>, %arg11: memref<!tpu.dma_semaphore, #tpu.memory_space<semaphore_mem>>, %arg12: memref<!tpu.dma_semaphore, #tpu.memory_space<semaphore_mem>>, %arg13: memref<!tpu.dma_semaphore, #tpu.memory_space<semaphore_mem>>, %arg14: memref<!tpu.dma_semaphore, #tpu.memory_space<semaphore_mem>>, %arg15: memref<!tpu.dma_semaphore, #tpu.memory_space<semaphore_mem>>, %arg16: memref<!tpu.dma_semaphore, #tpu.memory_space<semaphore_mem>>, %arg17: memref<!tpu.dma_semaphore, #tpu.memory_space<semaphore_mem>>, %arg18: memref<!tpu.dma_semaphore, #tpu.memory_space<semaphore_mem>>, %arg19: memref<!tpu.dma_semaphore, #tpu.memory_space<semaphore_mem>>, %arg20: memref<!tpu.dma_semaphore, #tpu.memory_space<semaphore_mem>>, %arg21: memref<!tpu.dma_semaphore, #tpu.memory_space<semaphore_mem>>, %arg22: memref<!tpu.dma_semaphore, #tpu.memory_space<semaphore_mem>>) attributes {dimension_semantics = [#tpu.dimension_semantics<core_parallel>, #tpu.dimension_semantics<subcore_parallel>], iteration_bounds = array<i64: 2, 16>, scalar_prefetch = 0 : i64, scratch_operands = 18 : i64, tpu.core_type = #tpu.core_type<sc_vector_subcore>, window_params = [{transform_indices = #map}, {transform_indices = #map}, {transform_indices = #map}]} {
    %mul3A = arith.constant 2 : i32
    %mul3A_0 = arith.muli %arg1, %mul3A : i32
    %add3A = arith.addi %mul3A_0, %arg0 : i32
    %mul3A_1 = arith.constant 200 : i32
    %mul3A_2 = arith.muli %add3A, %mul3A_1 : i32
    "tpu.region"() ({
      %run_scoped3A = tpu.sem_alloc : memref<!tpu.dma_semaphore, #tpu.memory_space<semaphore_mem>>
      %dma_start3A_477 = arith.constant 0 : i32
      %dma_start3A_478 = tpu.memref_slice %arg2[%mul3A_2, %dma_start3A_477] : memref<6400x128xi32, #tpu.memory_space<hbm>> -> memref<200x128xi32, #tpu.memory_space<hbm>>
      %dma_start3A_479 = arith.constant 0 : i32
      %dma_start3A_480 = tpu.memref_slice %arg2[%mul3A_2, %dma_start3A_479] : memref<6400x128xi32, #tpu.memory_space<hbm>> -> memref<200x128xi32, #tpu.memory_space<hbm>>
      tpu.enqueue_dma source(%dma_start3A_480 : memref<200x128xi32, #tpu.memory_space<hbm>>) target(%arg5 : memref<200x128xi32, #tpu.memory_space<vmem>>) target_semaphore(%run_scoped3A : memref<!tpu.dma_semaphore, #tpu.memory_space<semaphore_mem>>)
      %dma_wait3A_481 = arith.constant 0 : i32
      %dma_wait3A_482 = tpu.memref_slice %arg2[%mul3A_2, %dma_wait3A_481] : memref<6400x128xi32, #tpu.memory_space<hbm>> -> memref<200x128xi32, #tpu.memory_space<hbm>>
      %dma_wait3A_483 = arith.constant 0 : i32
      %dma_wait3A_484 = tpu.memref_slice %arg2[%mul3A_2, %dma_wait3A_483] : memref<6400x128xi32, #tpu.memory_space<hbm>> -> memref<200x128xi32, #tpu.memory_space<hbm>>
      tpu.wait_dma2 semaphore(%run_scoped3A : memref<!tpu.dma_semaphore, #tpu.memory_space<semaphore_mem>>) src(%dma_wait3A_484 : memref<200x128xi32, #tpu.memory_space<hbm>>) dst(%arg5 : memref<200x128xi32, #tpu.memory_space<vmem>>)
      tpu.yield
    }) : () -> ()
    %dma_start3A = arith.constant 0 : i32
    %dma_start3A_3 = arith.constant 0 : i32
    %dma_start3A_4 = arith.constant 0 : i32
    %dma_start3A_5 = arith.constant 0 : i32
    %dma_start3A_6 = tpu.memref_slice %arg6[%dma_start3A_3, %dma_start3A_4, %dma_start3A_5] : memref<8x128x64xf32, #tpu.memory_space<vmem>> -> memref<1x128x64xf32, #tpu.memory_space<vmem>>
    %dma_start3A_7 = tpu.memref_squeeze %dma_start3A_6 : memref<1x128x64xf32, #tpu.memory_space<vmem>> -> memref<128x64xf32, #tpu.memory_space<vmem>>
    %dma_start3A_8 = arith.constant 0 : i32
    %dma_start3A_9 = tpu.memref_slice %arg5[%dma_start3A, %dma_start3A_8] : memref<200x128xi32, #tpu.memory_space<vmem>> -> memref<1x128xi32, #tpu.memory_space<vmem>>
    %dma_start3A_10 = tpu.memref_squeeze %dma_start3A_9 : memref<1x128xi32, #tpu.memory_space<vmem>> -> memref<128xi32, #tpu.memory_space<vmem>>
    %dma_start3A_11 = arith.constant 0 : i32
    %dma_start3A_12 = arith.constant 0 : i32
    %dma_start3A_13 = tpu.memref_slice %arg3[%dma_start3A_11, %dma_start3A_12] : memref<1000000x64xf32, #tpu.memory_space<hbm>> -> memref<1000000x64xf32, #tpu.memory_space<hbm>>
    tpu.enqueue_indirect_dma source(%dma_start3A_13 : memref<1000000x64xf32, #tpu.memory_space<hbm>>) target(%dma_start3A_7 : memref<128x64xf32, #tpu.memory_space<vmem>>) offsets(%dma_start3A_10 : memref<128xi32, #tpu.memory_space<vmem>>) semaphore(%arg7 : memref<!tpu.dma_semaphore, #tpu.memory_space<semaphore_mem>>)
    %dma_start3A_14 = arith.constant 1 : i32
    %dma_start3A_15 = arith.constant 1 : i32
    %dma_start3A_16 = arith.constant 0 : i32
    %dma_start3A_17 = arith.constant 0 : i32
    %dma_start3A_18 = tpu.memref_slice %arg6[%dma_start3A_15, %dma_start3A_16, %dma_start3A_17] : memref<8x128x64xf32, #tpu.memory_space<vmem>> -> memref<1x128x64xf32, #tpu.memory_space<vmem>>
    %dma_start3A_19 = tpu.memref_squeeze %dma_start3A_18 : memref<1x128x64xf32, #tpu.memory_space<vmem>> -> memref<128x64xf32, #tpu.memory_space<vmem>>
    %dma_start3A_20 = arith.constant 0 : i32
    %dma_start3A_21 = tpu.memref_slice %arg5[%dma_start3A_14, %dma_start3A_20] : memref<200x128xi32, #tpu.memory_space<vmem>> -> memref<1x128xi32, #tpu.memory_space<vmem>>
    %dma_start3A_22 = tpu.memref_squeeze %dma_start3A_21 : memref<1x128xi32, #tpu.memory_space<vmem>> -> memref<128xi32, #tpu.memory_space<vmem>>
    %dma_start3A_23 = arith.constant 0 : i32
    %dma_start3A_24 = arith.constant 0 : i32
    %dma_start3A_25 = tpu.memref_slice %arg3[%dma_start3A_23, %dma_start3A_24] : memref<1000000x64xf32, #tpu.memory_space<hbm>> -> memref<1000000x64xf32, #tpu.memory_space<hbm>>
    tpu.enqueue_indirect_dma source(%dma_start3A_25 : memref<1000000x64xf32, #tpu.memory_space<hbm>>) target(%dma_start3A_19 : memref<128x64xf32, #tpu.memory_space<vmem>>) offsets(%dma_start3A_22 : memref<128xi32, #tpu.memory_space<vmem>>) semaphore(%arg8 : memref<!tpu.dma_semaphore, #tpu.memory_space<semaphore_mem>>)
    %dma_start3A_26 = arith.constant 2 : i32
    %dma_start3A_27 = arith.constant 2 : i32
    %dma_start3A_28 = arith.constant 0 : i32
    %dma_start3A_29 = arith.constant 0 : i32
    %dma_start3A_30 = tpu.memref_slice %arg6[%dma_start3A_27, %dma_start3A_28, %dma_start3A_29] : memref<8x128x64xf32, #tpu.memory_space<vmem>> -> memref<1x128x64xf32, #tpu.memory_space<vmem>>
    %dma_start3A_31 = tpu.memref_squeeze %dma_start3A_30 : memref<1x128x64xf32, #tpu.memory_space<vmem>> -> memref<128x64xf32, #tpu.memory_space<vmem>>
    %dma_start3A_32 = arith.constant 0 : i32
    %dma_start3A_33 = tpu.memref_slice %arg5[%dma_start3A_26, %dma_start3A_32] : memref<200x128xi32, #tpu.memory_space<vmem>> -> memref<1x128xi32, #tpu.memory_space<vmem>>
    %dma_start3A_34 = tpu.memref_squeeze %dma_start3A_33 : memref<1x128xi32, #tpu.memory_space<vmem>> -> memref<128xi32, #tpu.memory_space<vmem>>
    %dma_start3A_35 = arith.constant 0 : i32
    %dma_start3A_36 = arith.constant 0 : i32
    %dma_start3A_37 = tpu.memref_slice %arg3[%dma_start3A_35, %dma_start3A_36] : memref<1000000x64xf32, #tpu.memory_space<hbm>> -> memref<1000000x64xf32, #tpu.memory_space<hbm>>
    tpu.enqueue_indirect_dma source(%dma_start3A_37 : memref<1000000x64xf32, #tpu.memory_space<hbm>>) target(%dma_start3A_31 : memref<128x64xf32, #tpu.memory_space<vmem>>) offsets(%dma_start3A_34 : memref<128xi32, #tpu.memory_space<vmem>>) semaphore(%arg9 : memref<!tpu.dma_semaphore, #tpu.memory_space<semaphore_mem>>)
    %dma_start3A_38 = arith.constant 3 : i32
    %dma_start3A_39 = arith.constant 3 : i32
    %dma_start3A_40 = arith.constant 0 : i32
    %dma_start3A_41 = arith.constant 0 : i32
    %dma_start3A_42 = tpu.memref_slice %arg6[%dma_start3A_39, %dma_start3A_40, %dma_start3A_41] : memref<8x128x64xf32, #tpu.memory_space<vmem>> -> memref<1x128x64xf32, #tpu.memory_space<vmem>>
    %dma_start3A_43 = tpu.memref_squeeze %dma_start3A_42 : memref<1x128x64xf32, #tpu.memory_space<vmem>> -> memref<128x64xf32, #tpu.memory_space<vmem>>
    %dma_start3A_44 = arith.constant 0 : i32
    %dma_start3A_45 = tpu.memref_slice %arg5[%dma_start3A_38, %dma_start3A_44] : memref<200x128xi32, #tpu.memory_space<vmem>> -> memref<1x128xi32, #tpu.memory_space<vmem>>
    %dma_start3A_46 = tpu.memref_squeeze %dma_start3A_45 : memref<1x128xi32, #tpu.memory_space<vmem>> -> memref<128xi32, #tpu.memory_space<vmem>>
    %dma_start3A_47 = arith.constant 0 : i32
    %dma_start3A_48 = arith.constant 0 : i32
    %dma_start3A_49 = tpu.memref_slice %arg3[%dma_start3A_47, %dma_start3A_48] : memref<1000000x64xf32, #tpu.memory_space<hbm>> -> memref<1000000x64xf32, #tpu.memory_space<hbm>>
    tpu.enqueue_indirect_dma source(%dma_start3A_49 : memref<1000000x64xf32, #tpu.memory_space<hbm>>) target(%dma_start3A_43 : memref<128x64xf32, #tpu.memory_space<vmem>>) offsets(%dma_start3A_46 : memref<128xi32, #tpu.memory_space<vmem>>) semaphore(%arg10 : memref<!tpu.dma_semaphore, #tpu.memory_space<semaphore_mem>>)
    %dma_start3A_50 = arith.constant 4 : i32
    %dma_start3A_51 = arith.constant 4 : i32
    %dma_start3A_52 = arith.constant 0 : i32
    %dma_start3A_53 = arith.constant 0 : i32
    %dma_start3A_54 = tpu.memref_slice %arg6[%dma_start3A_51, %dma_start3A_52, %dma_start3A_53] : memref<8x128x64xf32, #tpu.memory_space<vmem>> -> memref<1x128x64xf32, #tpu.memory_space<vmem>>
    %dma_start3A_55 = tpu.memref_squeeze %dma_start3A_54 : memref<1x128x64xf32, #tpu.memory_space<vmem>> -> memref<128x64xf32, #tpu.memory_space<vmem>>
    %dma_start3A_56 = arith.constant 0 : i32
    %dma_start3A_57 = tpu.memref_slice %arg5[%dma_start3A_50, %dma_start3A_56] : memref<200x128xi32, #tpu.memory_space<vmem>> -> memref<1x128xi32, #tpu.memory_space<vmem>>
    %dma_start3A_58 = tpu.memref_squeeze %dma_start3A_57 : memref<1x128xi32, #tpu.memory_space<vmem>> -> memref<128xi32, #tpu.memory_space<vmem>>
    %dma_start3A_59 = arith.constant 0 : i32
    %dma_start3A_60 = arith.constant 0 : i32
    %dma_start3A_61 = tpu.memref_slice %arg3[%dma_start3A_59, %dma_start3A_60] : memref<1000000x64xf32, #tpu.memory_space<hbm>> -> memref<1000000x64xf32, #tpu.memory_space<hbm>>
    tpu.enqueue_indirect_dma source(%dma_start3A_61 : memref<1000000x64xf32, #tpu.memory_space<hbm>>) target(%dma_start3A_55 : memref<128x64xf32, #tpu.memory_space<vmem>>) offsets(%dma_start3A_58 : memref<128xi32, #tpu.memory_space<vmem>>) semaphore(%arg11 : memref<!tpu.dma_semaphore, #tpu.memory_space<semaphore_mem>>)
    %dma_start3A_62 = arith.constant 5 : i32
    %dma_start3A_63 = arith.constant 5 : i32
    %dma_start3A_64 = arith.constant 0 : i32
    %dma_start3A_65 = arith.constant 0 : i32
    %dma_start3A_66 = tpu.memref_slice %arg6[%dma_start3A_63, %dma_start3A_64, %dma_start3A_65] : memref<8x128x64xf32, #tpu.memory_space<vmem>> -> memref<1x128x64xf32, #tpu.memory_space<vmem>>
    %dma_start3A_67 = tpu.memref_squeeze %dma_start3A_66 : memref<1x128x64xf32, #tpu.memory_space<vmem>> -> memref<128x64xf32, #tpu.memory_space<vmem>>
    %dma_start3A_68 = arith.constant 0 : i32
    %dma_start3A_69 = tpu.memref_slice %arg5[%dma_start3A_62, %dma_start3A_68] : memref<200x128xi32, #tpu.memory_space<vmem>> -> memref<1x128xi32, #tpu.memory_space<vmem>>
    %dma_start3A_70 = tpu.memref_squeeze %dma_start3A_69 : memref<1x128xi32, #tpu.memory_space<vmem>> -> memref<128xi32, #tpu.memory_space<vmem>>
    %dma_start3A_71 = arith.constant 0 : i32
    %dma_start3A_72 = arith.constant 0 : i32
    %dma_start3A_73 = tpu.memref_slice %arg3[%dma_start3A_71, %dma_start3A_72] : memref<1000000x64xf32, #tpu.memory_space<hbm>> -> memref<1000000x64xf32, #tpu.memory_space<hbm>>
    tpu.enqueue_indirect_dma source(%dma_start3A_73 : memref<1000000x64xf32, #tpu.memory_space<hbm>>) target(%dma_start3A_67 : memref<128x64xf32, #tpu.memory_space<vmem>>) offsets(%dma_start3A_70 : memref<128xi32, #tpu.memory_space<vmem>>) semaphore(%arg12 : memref<!tpu.dma_semaphore, #tpu.memory_space<semaphore_mem>>)
    %dma_start3A_74 = arith.constant 6 : i32
    %dma_start3A_75 = arith.constant 6 : i32
    %dma_start3A_76 = arith.constant 0 : i32
    %dma_start3A_77 = arith.constant 0 : i32
    %dma_start3A_78 = tpu.memref_slice %arg6[%dma_start3A_75, %dma_start3A_76, %dma_start3A_77] : memref<8x128x64xf32, #tpu.memory_space<vmem>> -> memref<1x128x64xf32, #tpu.memory_space<vmem>>
    %dma_start3A_79 = tpu.memref_squeeze %dma_start3A_78 : memref<1x128x64xf32, #tpu.memory_space<vmem>> -> memref<128x64xf32, #tpu.memory_space<vmem>>
    %dma_start3A_80 = arith.constant 0 : i32
    %dma_start3A_81 = tpu.memref_slice %arg5[%dma_start3A_74, %dma_start3A_80] : memref<200x128xi32, #tpu.memory_space<vmem>> -> memref<1x128xi32, #tpu.memory_space<vmem>>
    %dma_start3A_82 = tpu.memref_squeeze %dma_start3A_81 : memref<1x128xi32, #tpu.memory_space<vmem>> -> memref<128xi32, #tpu.memory_space<vmem>>
    %dma_start3A_83 = arith.constant 0 : i32
    %dma_start3A_84 = arith.constant 0 : i32
    %dma_start3A_85 = tpu.memref_slice %arg3[%dma_start3A_83, %dma_start3A_84] : memref<1000000x64xf32, #tpu.memory_space<hbm>> -> memref<1000000x64xf32, #tpu.memory_space<hbm>>
    tpu.enqueue_indirect_dma source(%dma_start3A_85 : memref<1000000x64xf32, #tpu.memory_space<hbm>>) target(%dma_start3A_79 : memref<128x64xf32, #tpu.memory_space<vmem>>) offsets(%dma_start3A_82 : memref<128xi32, #tpu.memory_space<vmem>>) semaphore(%arg13 : memref<!tpu.dma_semaphore, #tpu.memory_space<semaphore_mem>>)
    %dma_start3A_86 = arith.constant 7 : i32
    %dma_start3A_87 = arith.constant 7 : i32
    %dma_start3A_88 = arith.constant 0 : i32
    %dma_start3A_89 = arith.constant 0 : i32
    %dma_start3A_90 = tpu.memref_slice %arg6[%dma_start3A_87, %dma_start3A_88, %dma_start3A_89] : memref<8x128x64xf32, #tpu.memory_space<vmem>> -> memref<1x128x64xf32, #tpu.memory_space<vmem>>
    %dma_start3A_91 = tpu.memref_squeeze %dma_start3A_90 : memref<1x128x64xf32, #tpu.memory_space<vmem>> -> memref<128x64xf32, #tpu.memory_space<vmem>>
    %dma_start3A_92 = arith.constant 0 : i32
    %dma_start3A_93 = tpu.memref_slice %arg5[%dma_start3A_86, %dma_start3A_92] : memref<200x128xi32, #tpu.memory_space<vmem>> -> memref<1x128xi32, #tpu.memory_space<vmem>>
    %dma_start3A_94 = tpu.memref_squeeze %dma_start3A_93 : memref<1x128xi32, #tpu.memory_space<vmem>> -> memref<128xi32, #tpu.memory_space<vmem>>
    %dma_start3A_95 = arith.constant 0 : i32
    %dma_start3A_96 = arith.constant 0 : i32
    %dma_start3A_97 = tpu.memref_slice %arg3[%dma_start3A_95, %dma_start3A_96] : memref<1000000x64xf32, #tpu.memory_space<hbm>> -> memref<1000000x64xf32, #tpu.memory_space<hbm>>
    tpu.enqueue_indirect_dma source(%dma_start3A_97 : memref<1000000x64xf32, #tpu.memory_space<hbm>>) target(%dma_start3A_91 : memref<128x64xf32, #tpu.memory_space<vmem>>) offsets(%dma_start3A_94 : memref<128xi32, #tpu.memory_space<vmem>>) semaphore(%arg14 : memref<!tpu.dma_semaphore, #tpu.memory_space<semaphore_mem>>)
    %dma_wait3A = arith.constant 0 : i32
    %dma_wait3A_98 = arith.constant 0 : i32
    %dma_wait3A_99 = arith.constant 0 : i32
    %dma_wait3A_100 = tpu.memref_slice %arg6[%dma_wait3A, %dma_wait3A_98, %dma_wait3A_99] : memref<8x128x64xf32, #tpu.memory_space<vmem>> -> memref<1x128x64xf32, #tpu.memory_space<vmem>>
    %dma_wait3A_101 = tpu.memref_squeeze %dma_wait3A_100 : memref<1x128x64xf32, #tpu.memory_space<vmem>> -> memref<128x64xf32, #tpu.memory_space<vmem>>
    %dma_wait3A_102 = arith.constant 0 : i32
    %dma_wait3A_103 = arith.constant 0 : i32
    %dma_wait3A_104 = tpu.memref_slice %arg3[%dma_wait3A_102, %dma_wait3A_103] : memref<1000000x64xf32, #tpu.memory_space<hbm>> -> memref<128x64xf32, #tpu.memory_space<hbm>>
    %dma_wait3A_105 = arith.constant 0 : i32
    %dma_wait3A_106 = arith.constant 0 : i32
    %dma_wait3A_107 = tpu.memref_slice %arg6[%dma_wait3A, %dma_wait3A_105, %dma_wait3A_106] : memref<8x128x64xf32, #tpu.memory_space<vmem>> -> memref<1x128x64xf32, #tpu.memory_space<vmem>>
    %dma_wait3A_108 = tpu.memref_squeeze %dma_wait3A_107 : memref<1x128x64xf32, #tpu.memory_space<vmem>> -> memref<128x64xf32, #tpu.memory_space<vmem>>
    %dma_wait3A_109 = arith.constant 0 : i32
    %dma_wait3A_110 = arith.constant 0 : i32
    %dma_wait3A_111 = tpu.memref_slice %arg3[%dma_wait3A_109, %dma_wait3A_110] : memref<1000000x64xf32, #tpu.memory_space<hbm>> -> memref<128x64xf32, #tpu.memory_space<hbm>>
    tpu.wait_dma2 semaphore(%arg7 : memref<!tpu.dma_semaphore, #tpu.memory_space<semaphore_mem>>) src(%dma_wait3A_111 : memref<128x64xf32, #tpu.memory_space<hbm>>) dst(%dma_wait3A_108 : memref<128x64xf32, #tpu.memory_space<vmem>>)
    %add3A_112 = arith.constant 0 : i32
    %add3A_113 = arith.addi %mul3A_2, %add3A_112 : i32
    %mul3A_114 = arith.constant 128 : i32
    %mul3A_115 = arith.muli %add3A_113, %mul3A_114 : i32
    %dma_start3A_116 = arith.constant 0 : i32
    %dma_start3A_117 = arith.constant 0 : i32
    %dma_start3A_118 = arith.constant 0 : i32
    %dma_start3A_119 = tpu.memref_slice %arg6[%dma_start3A_116, %dma_start3A_117, %dma_start3A_118] : memref<8x128x64xf32, #tpu.memory_space<vmem>> -> memref<1x128x64xf32, #tpu.memory_space<vmem>>
    %dma_start3A_120 = tpu.memref_squeeze %dma_start3A_119 : memref<1x128x64xf32, #tpu.memory_space<vmem>> -> memref<128x64xf32, #tpu.memory_space<vmem>>
    %dma_start3A_121 = arith.constant 0 : i32
    %dma_start3A_122 = tpu.memref_slice %arg4[%mul3A_115, %dma_start3A_121] : memref<819200x64xf32, #tpu.memory_space<hbm>> -> memref<128x64xf32, #tpu.memory_space<hbm>>
    %dma_start3A_123 = arith.constant 0 : i32
    %dma_start3A_124 = tpu.memref_slice %arg4[%mul3A_115, %dma_start3A_123] : memref<819200x64xf32, #tpu.memory_space<hbm>> -> memref<128x64xf32, #tpu.memory_space<hbm>>
    %dma_start3A_125 = arith.constant 0 : i32
    %dma_start3A_126 = arith.constant 0 : i32
    %dma_start3A_127 = tpu.memref_slice %arg6[%dma_start3A_116, %dma_start3A_125, %dma_start3A_126] : memref<8x128x64xf32, #tpu.memory_space<vmem>> -> memref<1x128x64xf32, #tpu.memory_space<vmem>>
    %dma_start3A_128 = tpu.memref_squeeze %dma_start3A_127 : memref<1x128x64xf32, #tpu.memory_space<vmem>> -> memref<128x64xf32, #tpu.memory_space<vmem>>
    tpu.enqueue_dma source(%dma_start3A_128 : memref<128x64xf32, #tpu.memory_space<vmem>>) target(%dma_start3A_124 : memref<128x64xf32, #tpu.memory_space<hbm>>) target_semaphore(%arg15 : memref<!tpu.dma_semaphore, #tpu.memory_space<semaphore_mem>>)
    %scan3A = arith.constant 0 : i32
    %scan3A_129 = arith.constant 24 : i32
    %scan3A_130 = arith.addi %scan3A, %scan3A_129 : i32
    %scan3A_131 = arith.constant 1 : i32
    scf.for %scan3A_477 = %scan3A to %scan3A_130 step %scan3A_131  : i32 {
      %mul3A_478 = arith.constant 8 : i32
      %mul3A_479 = arith.muli %scan3A_477, %mul3A_478 : i32
      %add3A_480 = arith.constant 1 : i32
      %add3A_481 = arith.addi %add3A_480, %mul3A_479 : i32
      %add3A_482 = arith.constant 0 : i32
      %add3A_483 = arith.addi %add3A_481, %add3A_482 : i32
      %dma_wait3A_484 = arith.constant 0 : i32
      %dma_wait3A_485 = arith.constant 0 : i32
      %dma_wait3A_486 = arith.constant 0 : i32
      %dma_wait3A_487 = tpu.memref_slice %arg6[%dma_wait3A_484, %dma_wait3A_485, %dma_wait3A_486] : memref<8x128x64xf32, #tpu.memory_space<vmem>> -> memref<1x128x64xf32, #tpu.memory_space<vmem>>
      %dma_wait3A_488 = tpu.memref_squeeze %dma_wait3A_487 : memref<1x128x64xf32, #tpu.memory_space<vmem>> -> memref<128x64xf32, #tpu.memory_space<vmem>>
      %dma_wait3A_489 = arith.constant 0 : i32
      %dma_wait3A_490 = arith.constant 0 : i32
      %dma_wait3A_491 = tpu.memref_slice %arg4[%dma_wait3A_489, %dma_wait3A_490] : memref<819200x64xf32, #tpu.memory_space<hbm>> -> memref<128x64xf32, #tpu.memory_space<hbm>>
      %dma_wait3A_492 = arith.constant 0 : i32
      %dma_wait3A_493 = arith.constant 0 : i32
      %dma_wait3A_494 = tpu.memref_slice %arg4[%dma_wait3A_492, %dma_wait3A_493] : memref<819200x64xf32, #tpu.memory_space<hbm>> -> memref<128x64xf32, #tpu.memory_space<hbm>>
      %dma_wait3A_495 = arith.constant 0 : i32
      %dma_wait3A_496 = arith.constant 0 : i32
      %dma_wait3A_497 = tpu.memref_slice %arg6[%dma_wait3A_484, %dma_wait3A_495, %dma_wait3A_496] : memref<8x128x64xf32, #tpu.memory_space<vmem>> -> memref<1x128x64xf32, #tpu.memory_space<vmem>>
      %dma_wait3A_498 = tpu.memref_squeeze %dma_wait3A_497 : memref<1x128x64xf32, #tpu.memory_space<vmem>> -> memref<128x64xf32, #tpu.memory_space<vmem>>
      tpu.wait_dma2 semaphore(%arg15 : memref<!tpu.dma_semaphore, #tpu.memory_space<semaphore_mem>>) src(%dma_wait3A_498 : memref<128x64xf32, #tpu.memory_space<vmem>>) dst(%dma_wait3A_494 : memref<128x64xf32, #tpu.memory_space<hbm>>)
      %add3A_499 = arith.constant 8 : i32
      %add3A_500 = arith.addi %add3A_483, %add3A_499 : i32
      %sub3A = arith.constant 1 : i32
      %sub3A_501 = arith.subi %add3A_500, %sub3A : i32
      %dma_start3A_502 = arith.constant 0 : i32
      %dma_start3A_503 = arith.constant 0 : i32
      %dma_start3A_504 = arith.constant 0 : i32
      %dma_start3A_505 = tpu.memref_slice %arg6[%dma_start3A_502, %dma_start3A_503, %dma_start3A_504] : memref<8x128x64xf32, #tpu.memory_space<vmem>> -> memref<1x128x64xf32, #tpu.memory_space<vmem>>
      %dma_start3A_506 = tpu.memref_squeeze %dma_start3A_505 : memref<1x128x64xf32, #tpu.memory_space<vmem>> -> memref<128x64xf32, #tpu.memory_space<vmem>>
      %dma_start3A_507 = arith.constant 0 : i32
      %dma_start3A_508 = tpu.memref_slice %arg5[%sub3A_501, %dma_start3A_507] : memref<200x128xi32, #tpu.memory_space<vmem>> -> memref<1x128xi32, #tpu.memory_space<vmem>>
      %dma_start3A_509 = tpu.memref_squeeze %dma_start3A_508 : memref<1x128xi32, #tpu.memory_space<vmem>> -> memref<128xi32, #tpu.memory_space<vmem>>
      %dma_start3A_510 = arith.constant 0 : i32
      %dma_start3A_511 = arith.constant 0 : i32
      %dma_start3A_512 = tpu.memref_slice %arg3[%dma_start3A_510, %dma_start3A_511] : memref<1000000x64xf32, #tpu.memory_space<hbm>> -> memref<1000000x64xf32, #tpu.memory_space<hbm>>
      tpu.enqueue_indirect_dma source(%dma_start3A_512 : memref<1000000x64xf32, #tpu.memory_space<hbm>>) target(%dma_start3A_506 : memref<128x64xf32, #tpu.memory_space<vmem>>) offsets(%dma_start3A_509 : memref<128xi32, #tpu.memory_space<vmem>>) semaphore(%arg7 : memref<!tpu.dma_semaphore, #tpu.memory_space<semaphore_mem>>)
      %dma_wait3A_513 = arith.constant 1 : i32
      %dma_wait3A_514 = arith.constant 0 : i32
      %dma_wait3A_515 = arith.constant 0 : i32
      %dma_wait3A_516 = tpu.memref_slice %arg6[%dma_wait3A_513, %dma_wait3A_514, %dma_wait3A_515] : memref<8x128x64xf32, #tpu.memory_space<vmem>> -> memref<1x128x64xf32, #tpu.memory_space<vmem>>
      %dma_wait3A_517 = tpu.memref_squeeze %dma_wait3A_516 : memref<1x128x64xf32, #tpu.memory_space<vmem>> -> memref<128x64xf32, #tpu.memory_space<vmem>>
      %dma_wait3A_518 = arith.constant 0 : i32
      %dma_wait3A_519 = arith.constant 0 : i32
      %dma_wait3A_520 = tpu.memref_slice %arg3[%dma_wait3A_518, %dma_wait3A_519] : memref<1000000x64xf32, #tpu.memory_space<hbm>> -> memref<128x64xf32, #tpu.memory_space<hbm>>
      %dma_wait3A_521 = arith.constant 0 : i32
      %dma_wait3A_522 = arith.constant 0 : i32
      %dma_wait3A_523 = tpu.memref_slice %arg6[%dma_wait3A_513, %dma_wait3A_521, %dma_wait3A_522] : memref<8x128x64xf32, #tpu.memory_space<vmem>> -> memref<1x128x64xf32, #tpu.memory_space<vmem>>
      %dma_wait3A_524 = tpu.memref_squeeze %dma_wait3A_523 : memref<1x128x64xf32, #tpu.memory_space<vmem>> -> memref<128x64xf32, #tpu.memory_space<vmem>>
      %dma_wait3A_525 = arith.constant 0 : i32
      %dma_wait3A_526 = arith.constant 0 : i32
      %dma_wait3A_527 = tpu.memref_slice %arg3[%dma_wait3A_525, %dma_wait3A_526] : memref<1000000x64xf32, #tpu.memory_space<hbm>> -> memref<128x64xf32, #tpu.memory_space<hbm>>
      tpu.wait_dma2 semaphore(%arg8 : memref<!tpu.dma_semaphore, #tpu.memory_space<semaphore_mem>>) src(%dma_wait3A_527 : memref<128x64xf32, #tpu.memory_space<hbm>>) dst(%dma_wait3A_524 : memref<128x64xf32, #tpu.memory_space<vmem>>)
      %add3A_528 = arith.addi %mul3A_2, %add3A_483 : i32
      %mul3A_529 = arith.constant 128 : i32
      %mul3A_530 = arith.muli %add3A_528, %mul3A_529 : i32
      %dma_start3A_531 = arith.constant 1 : i32
      %dma_start3A_532 = arith.constant 0 : i32
      %dma_start3A_533 = arith.constant 0 : i32
      %dma_start3A_534 = tpu.memref_slice %arg6[%dma_start3A_531, %dma_start3A_532, %dma_start3A_533] : memref<8x128x64xf32, #tpu.memory_space<vmem>> -> memref<1x128x64xf32, #tpu.memory_space<vmem>>
      %dma_start3A_535 = tpu.memref_squeeze %dma_start3A_534 : memref<1x128x64xf32, #tpu.memory_space<vmem>> -> memref<128x64xf32, #tpu.memory_space<vmem>>
      %dma_start3A_536 = arith.constant 0 : i32
      %dma_start3A_537 = tpu.memref_slice %arg4[%mul3A_530, %dma_start3A_536] : memref<819200x64xf32, #tpu.memory_space<hbm>> -> memref<128x64xf32, #tpu.memory_space<hbm>>
      %dma_start3A_538 = arith.constant 0 : i32
      %dma_start3A_539 = tpu.memref_slice %arg4[%mul3A_530, %dma_start3A_538] : memref<819200x64xf32, #tpu.memory_space<hbm>> -> memref<128x64xf32, #tpu.memory_space<hbm>>
      %dma_start3A_540 = arith.constant 0 : i32
      %dma_start3A_541 = arith.constant 0 : i32
      %dma_start3A_542 = tpu.memref_slice %arg6[%dma_start3A_531, %dma_start3A_540, %dma_start3A_541] : memref<8x128x64xf32, #tpu.memory_space<vmem>> -> memref<1x128x64xf32, #tpu.memory_space<vmem>>
      %dma_start3A_543 = tpu.memref_squeeze %dma_start3A_542 : memref<1x128x64xf32, #tpu.memory_space<vmem>> -> memref<128x64xf32, #tpu.memory_space<vmem>>
      tpu.enqueue_dma source(%dma_start3A_543 : memref<128x64xf32, #tpu.memory_space<vmem>>) target(%dma_start3A_539 : memref<128x64xf32, #tpu.memory_space<hbm>>) target_semaphore(%arg16 : memref<!tpu.dma_semaphore, #tpu.memory_space<semaphore_mem>>)
      %add3A_544 = arith.constant 1 : i32
      %add3A_545 = arith.addi %add3A_481, %add3A_544 : i32
      %dma_wait3A_546 = arith.constant 1 : i32
      %dma_wait3A_547 = arith.constant 0 : i32
      %dma_wait3A_548 = arith.constant 0 : i32
      %dma_wait3A_549 = tpu.memref_slice %arg6[%dma_wait3A_546, %dma_wait3A_547, %dma_wait3A_548] : memref<8x128x64xf32, #tpu.memory_space<vmem>> -> memref<1x128x64xf32, #tpu.memory_space<vmem>>
      %dma_wait3A_550 = tpu.memref_squeeze %dma_wait3A_549 : memref<1x128x64xf32, #tpu.memory_space<vmem>> -> memref<128x64xf32, #tpu.memory_space<vmem>>
      %dma_wait3A_551 = arith.constant 0 : i32
      %dma_wait3A_552 = arith.constant 0 : i32
      %dma_wait3A_553 = tpu.memref_slice %arg4[%dma_wait3A_551, %dma_wait3A_552] : memref<819200x64xf32, #tpu.memory_space<hbm>> -> memref<128x64xf32, #tpu.memory_space<hbm>>
      %dma_wait3A_554 = arith.constant 0 : i32
      %dma_wait3A_555 = arith.constant 0 : i32
      %dma_wait3A_556 = tpu.memref_slice %arg4[%dma_wait3A_554, %dma_wait3A_555] : memref<819200x64xf32, #tpu.memory_space<hbm>> -> memref<128x64xf32, #tpu.memory_space<hbm>>
      %dma_wait3A_557 = arith.constant 0 : i32
      %dma_wait3A_558 = arith.constant 0 : i32
      %dma_wait3A_559 = tpu.memref_slice %arg6[%dma_wait3A_546, %dma_wait3A_557, %dma_wait3A_558] : memref<8x128x64xf32, #tpu.memory_space<vmem>> -> memref<1x128x64xf32, #tpu.memory_space<vmem>>
      %dma_wait3A_560 = tpu.memref_squeeze %dma_wait3A_559 : memref<1x128x64xf32, #tpu.memory_space<vmem>> -> memref<128x64xf32, #tpu.memory_space<vmem>>
      tpu.wait_dma2 semaphore(%arg16 : memref<!tpu.dma_semaphore, #tpu.memory_space<semaphore_mem>>) src(%dma_wait3A_560 : memref<128x64xf32, #tpu.memory_space<vmem>>) dst(%dma_wait3A_556 : memref<128x64xf32, #tpu.memory_space<hbm>>)
      %add3A_561 = arith.constant 8 : i32
      %add3A_562 = arith.addi %add3A_545, %add3A_561 : i32
      %sub3A_563 = arith.constant 1 : i32
      %sub3A_564 = arith.subi %add3A_562, %sub3A_563 : i32
      %dma_start3A_565 = arith.constant 1 : i32
      %dma_start3A_566 = arith.constant 0 : i32
      %dma_start3A_567 = arith.constant 0 : i32
      %dma_start3A_568 = tpu.memref_slice %arg6[%dma_start3A_565, %dma_start3A_566, %dma_start3A_567] : memref<8x128x64xf32, #tpu.memory_space<vmem>> -> memref<1x128x64xf32, #tpu.memory_space<vmem>>
      %dma_start3A_569 = tpu.memref_squeeze %dma_start3A_568 : memref<1x128x64xf32, #tpu.memory_space<vmem>> -> memref<128x64xf32, #tpu.memory_space<vmem>>
      %dma_start3A_570 = arith.constant 0 : i32
      %dma_start3A_571 = tpu.memref_slice %arg5[%sub3A_564, %dma_start3A_570] : memref<200x128xi32, #tpu.memory_space<vmem>> -> memref<1x128xi32, #tpu.memory_space<vmem>>
      %dma_start3A_572 = tpu.memref_squeeze %dma_start3A_571 : memref<1x128xi32, #tpu.memory_space<vmem>> -> memref<128xi32, #tpu.memory_space<vmem>>
      %dma_start3A_573 = arith.constant 0 : i32
      %dma_start3A_574 = arith.constant 0 : i32
      %dma_start3A_575 = tpu.memref_slice %arg3[%dma_start3A_573, %dma_start3A_574] : memref<1000000x64xf32, #tpu.memory_space<hbm>> -> memref<1000000x64xf32, #tpu.memory_space<hbm>>
      tpu.enqueue_indirect_dma source(%dma_start3A_575 : memref<1000000x64xf32, #tpu.memory_space<hbm>>) target(%dma_start3A_569 : memref<128x64xf32, #tpu.memory_space<vmem>>) offsets(%dma_start3A_572 : memref<128xi32, #tpu.memory_space<vmem>>) semaphore(%arg8 : memref<!tpu.dma_semaphore, #tpu.memory_space<semaphore_mem>>)
      %dma_wait3A_576 = arith.constant 2 : i32
      %dma_wait3A_577 = arith.constant 0 : i32
      %dma_wait3A_578 = arith.constant 0 : i32
      %dma_wait3A_579 = tpu.memref_slice %arg6[%dma_wait3A_576, %dma_wait3A_577, %dma_wait3A_578] : memref<8x128x64xf32, #tpu.memory_space<vmem>> -> memref<1x128x64xf32, #tpu.memory_space<vmem>>
      %dma_wait3A_580 = tpu.memref_squeeze %dma_wait3A_579 : memref<1x128x64xf32, #tpu.memory_space<vmem>> -> memref<128x64xf32, #tpu.memory_space<vmem>>
      %dma_wait3A_581 = arith.constant 0 : i32
      %dma_wait3A_582 = arith.constant 0 : i32
      %dma_wait3A_583 = tpu.memref_slice %arg3[%dma_wait3A_581, %dma_wait3A_582] : memref<1000000x64xf32, #tpu.memory_space<hbm>> -> memref<128x64xf32, #tpu.memory_space<hbm>>
      %dma_wait3A_584 = arith.constant 0 : i32
      %dma_wait3A_585 = arith.constant 0 : i32
      %dma_wait3A_586 = tpu.memref_slice %arg6[%dma_wait3A_576, %dma_wait3A_584, %dma_wait3A_585] : memref<8x128x64xf32, #tpu.memory_space<vmem>> -> memref<1x128x64xf32, #tpu.memory_space<vmem>>
      %dma_wait3A_587 = tpu.memref_squeeze %dma_wait3A_586 : memref<1x128x64xf32, #tpu.memory_space<vmem>> -> memref<128x64xf32, #tpu.memory_space<vmem>>
      %dma_wait3A_588 = arith.constant 0 : i32
      %dma_wait3A_589 = arith.constant 0 : i32
      %dma_wait3A_590 = tpu.memref_slice %arg3[%dma_wait3A_588, %dma_wait3A_589] : memref<1000000x64xf32, #tpu.memory_space<hbm>> -> memref<128x64xf32, #tpu.memory_space<hbm>>
      tpu.wait_dma2 semaphore(%arg9 : memref<!tpu.dma_semaphore, #tpu.memory_space<semaphore_mem>>) src(%dma_wait3A_590 : memref<128x64xf32, #tpu.memory_space<hbm>>) dst(%dma_wait3A_587 : memref<128x64xf32, #tpu.memory_space<vmem>>)
      %add3A_591 = arith.addi %mul3A_2, %add3A_545 : i32
      %mul3A_592 = arith.constant 128 : i32
      %mul3A_593 = arith.muli %add3A_591, %mul3A_592 : i32
      %dma_start3A_594 = arith.constant 2 : i32
      %dma_start3A_595 = arith.constant 0 : i32
      %dma_start3A_596 = arith.constant 0 : i32
      %dma_start3A_597 = tpu.memref_slice %arg6[%dma_start3A_594, %dma_start3A_595, %dma_start3A_596] : memref<8x128x64xf32, #tpu.memory_space<vmem>> -> memref<1x128x64xf32, #tpu.memory_space<vmem>>
      %dma_start3A_598 = tpu.memref_squeeze %dma_start3A_597 : memref<1x128x64xf32, #tpu.memory_space<vmem>> -> memref<128x64xf32, #tpu.memory_space<vmem>>
      %dma_start3A_599 = arith.constant 0 : i32
      %dma_start3A_600 = tpu.memref_slice %arg4[%mul3A_593, %dma_start3A_599] : memref<819200x64xf32, #tpu.memory_space<hbm>> -> memref<128x64xf32, #tpu.memory_space<hbm>>
      %dma_start3A_601 = arith.constant 0 : i32
      %dma_start3A_602 = tpu.memref_slice %arg4[%mul3A_593, %dma_start3A_601] : memref<819200x64xf32, #tpu.memory_space<hbm>> -> memref<128x64xf32, #tpu.memory_space<hbm>>
      %dma_start3A_603 = arith.constant 0 : i32
      %dma_start3A_604 = arith.constant 0 : i32
      %dma_start3A_605 = tpu.memref_slice %arg6[%dma_start3A_594, %dma_start3A_603, %dma_start3A_604] : memref<8x128x64xf32, #tpu.memory_space<vmem>> -> memref<1x128x64xf32, #tpu.memory_space<vmem>>
      %dma_start3A_606 = tpu.memref_squeeze %dma_start3A_605 : memref<1x128x64xf32, #tpu.memory_space<vmem>> -> memref<128x64xf32, #tpu.memory_space<vmem>>
      tpu.enqueue_dma source(%dma_start3A_606 : memref<128x64xf32, #tpu.memory_space<vmem>>) target(%dma_start3A_602 : memref<128x64xf32, #tpu.memory_space<hbm>>) target_semaphore(%arg17 : memref<!tpu.dma_semaphore, #tpu.memory_space<semaphore_mem>>)
      %add3A_607 = arith.constant 2 : i32
      %add3A_608 = arith.addi %add3A_481, %add3A_607 : i32
      %dma_wait3A_609 = arith.constant 2 : i32
      %dma_wait3A_610 = arith.constant 0 : i32
      %dma_wait3A_611 = arith.constant 0 : i32
      %dma_wait3A_612 = tpu.memref_slice %arg6[%dma_wait3A_609, %dma_wait3A_610, %dma_wait3A_611] : memref<8x128x64xf32, #tpu.memory_space<vmem>> -> memref<1x128x64xf32, #tpu.memory_space<vmem>>
      %dma_wait3A_613 = tpu.memref_squeeze %dma_wait3A_612 : memref<1x128x64xf32, #tpu.memory_space<vmem>> -> memref<128x64xf32, #tpu.memory_space<vmem>>
      %dma_wait3A_614 = arith.constant 0 : i32
      %dma_wait3A_615 = arith.constant 0 : i32
      %dma_wait3A_616 = tpu.memref_slice %arg4[%dma_wait3A_614, %dma_wait3A_615] : memref<819200x64xf32, #tpu.memory_space<hbm>> -> memref<128x64xf32, #tpu.memory_space<hbm>>
      %dma_wait3A_617 = arith.constant 0 : i32
      %dma_wait3A_618 = arith.constant 0 : i32
      %dma_wait3A_619 = tpu.memref_slice %arg4[%dma_wait3A_617, %dma_wait3A_618] : memref<819200x64xf32, #tpu.memory_space<hbm>> -> memref<128x64xf32, #tpu.memory_space<hbm>>
      %dma_wait3A_620 = arith.constant 0 : i32
      %dma_wait3A_621 = arith.constant 0 : i32
      %dma_wait3A_622 = tpu.memref_slice %arg6[%dma_wait3A_609, %dma_wait3A_620, %dma_wait3A_621] : memref<8x128x64xf32, #tpu.memory_space<vmem>> -> memref<1x128x64xf32, #tpu.memory_space<vmem>>
      %dma_wait3A_623 = tpu.memref_squeeze %dma_wait3A_622 : memref<1x128x64xf32, #tpu.memory_space<vmem>> -> memref<128x64xf32, #tpu.memory_space<vmem>>
      tpu.wait_dma2 semaphore(%arg17 : memref<!tpu.dma_semaphore, #tpu.memory_space<semaphore_mem>>) src(%dma_wait3A_623 : memref<128x64xf32, #tpu.memory_space<vmem>>) dst(%dma_wait3A_619 : memref<128x64xf32, #tpu.memory_space<hbm>>)
      %add3A_624 = arith.constant 8 : i32
      %add3A_625 = arith.addi %add3A_608, %add3A_624 : i32
      %sub3A_626 = arith.constant 1 : i32
      %sub3A_627 = arith.subi %add3A_625, %sub3A_626 : i32
      %dma_start3A_628 = arith.constant 2 : i32
      %dma_start3A_629 = arith.constant 0 : i32
      %dma_start3A_630 = arith.constant 0 : i32
      %dma_start3A_631 = tpu.memref_slice %arg6[%dma_start3A_628, %dma_start3A_629, %dma_start3A_630] : memref<8x128x64xf32, #tpu.memory_space<vmem>> -> memref<1x128x64xf32, #tpu.memory_space<vmem>>
      %dma_start3A_632 = tpu.memref_squeeze %dma_start3A_631 : memref<1x128x64xf32, #tpu.memory_space<vmem>> -> memref<128x64xf32, #tpu.memory_space<vmem>>
      %dma_start3A_633 = arith.constant 0 : i32
      %dma_start3A_634 = tpu.memref_slice %arg5[%sub3A_627, %dma_start3A_633] : memref<200x128xi32, #tpu.memory_space<vmem>> -> memref<1x128xi32, #tpu.memory_space<vmem>>
      %dma_start3A_635 = tpu.memref_squeeze %dma_start3A_634 : memref<1x128xi32, #tpu.memory_space<vmem>> -> memref<128xi32, #tpu.memory_space<vmem>>
      %dma_start3A_636 = arith.constant 0 : i32
      %dma_start3A_637 = arith.constant 0 : i32
      %dma_start3A_638 = tpu.memref_slice %arg3[%dma_start3A_636, %dma_start3A_637] : memref<1000000x64xf32, #tpu.memory_space<hbm>> -> memref<1000000x64xf32, #tpu.memory_space<hbm>>
      tpu.enqueue_indirect_dma source(%dma_start3A_638 : memref<1000000x64xf32, #tpu.memory_space<hbm>>) target(%dma_start3A_632 : memref<128x64xf32, #tpu.memory_space<vmem>>) offsets(%dma_start3A_635 : memref<128xi32, #tpu.memory_space<vmem>>) semaphore(%arg9 : memref<!tpu.dma_semaphore, #tpu.memory_space<semaphore_mem>>)
      %dma_wait3A_639 = arith.constant 3 : i32
      %dma_wait3A_640 = arith.constant 0 : i32
      %dma_wait3A_641 = arith.constant 0 : i32
      %dma_wait3A_642 = tpu.memref_slice %arg6[%dma_wait3A_639, %dma_wait3A_640, %dma_wait3A_641] : memref<8x128x64xf32, #tpu.memory_space<vmem>> -> memref<1x128x64xf32, #tpu.memory_space<vmem>>
      %dma_wait3A_643 = tpu.memref_squeeze %dma_wait3A_642 : memref<1x128x64xf32, #tpu.memory_space<vmem>> -> memref<128x64xf32, #tpu.memory_space<vmem>>
      %dma_wait3A_644 = arith.constant 0 : i32
      %dma_wait3A_645 = arith.constant 0 : i32
      %dma_wait3A_646 = tpu.memref_slice %arg3[%dma_wait3A_644, %dma_wait3A_645] : memref<1000000x64xf32, #tpu.memory_space<hbm>> -> memref<128x64xf32, #tpu.memory_space<hbm>>
      %dma_wait3A_647 = arith.constant 0 : i32
      %dma_wait3A_648 = arith.constant 0 : i32
      %dma_wait3A_649 = tpu.memref_slice %arg6[%dma_wait3A_639, %dma_wait3A_647, %dma_wait3A_648] : memref<8x128x64xf32, #tpu.memory_space<vmem>> -> memref<1x128x64xf32, #tpu.memory_space<vmem>>
      %dma_wait3A_650 = tpu.memref_squeeze %dma_wait3A_649 : memref<1x128x64xf32, #tpu.memory_space<vmem>> -> memref<128x64xf32, #tpu.memory_space<vmem>>
      %dma_wait3A_651 = arith.constant 0 : i32
      %dma_wait3A_652 = arith.constant 0 : i32
      %dma_wait3A_653 = tpu.memref_slice %arg3[%dma_wait3A_651, %dma_wait3A_652] : memref<1000000x64xf32, #tpu.memory_space<hbm>> -> memref<128x64xf32, #tpu.memory_space<hbm>>
      tpu.wait_dma2 semaphore(%arg10 : memref<!tpu.dma_semaphore, #tpu.memory_space<semaphore_mem>>) src(%dma_wait3A_653 : memref<128x64xf32, #tpu.memory_space<hbm>>) dst(%dma_wait3A_650 : memref<128x64xf32, #tpu.memory_space<vmem>>)
      %add3A_654 = arith.addi %mul3A_2, %add3A_608 : i32
      %mul3A_655 = arith.constant 128 : i32
      %mul3A_656 = arith.muli %add3A_654, %mul3A_655 : i32
      %dma_start3A_657 = arith.constant 3 : i32
      %dma_start3A_658 = arith.constant 0 : i32
      %dma_start3A_659 = arith.constant 0 : i32
      %dma_start3A_660 = tpu.memref_slice %arg6[%dma_start3A_657, %dma_start3A_658, %dma_start3A_659] : memref<8x128x64xf32, #tpu.memory_space<vmem>> -> memref<1x128x64xf32, #tpu.memory_space<vmem>>
      %dma_start3A_661 = tpu.memref_squeeze %dma_start3A_660 : memref<1x128x64xf32, #tpu.memory_space<vmem>> -> memref<128x64xf32, #tpu.memory_space<vmem>>
      %dma_start3A_662 = arith.constant 0 : i32
      %dma_start3A_663 = tpu.memref_slice %arg4[%mul3A_656, %dma_start3A_662] : memref<819200x64xf32, #tpu.memory_space<hbm>> -> memref<128x64xf32, #tpu.memory_space<hbm>>
      %dma_start3A_664 = arith.constant 0 : i32
      %dma_start3A_665 = tpu.memref_slice %arg4[%mul3A_656, %dma_start3A_664] : memref<819200x64xf32, #tpu.memory_space<hbm>> -> memref<128x64xf32, #tpu.memory_space<hbm>>
      %dma_start3A_666 = arith.constant 0 : i32
      %dma_start3A_667 = arith.constant 0 : i32
      %dma_start3A_668 = tpu.memref_slice %arg6[%dma_start3A_657, %dma_start3A_666, %dma_start3A_667] : memref<8x128x64xf32, #tpu.memory_space<vmem>> -> memref<1x128x64xf32, #tpu.memory_space<vmem>>
      %dma_start3A_669 = tpu.memref_squeeze %dma_start3A_668 : memref<1x128x64xf32, #tpu.memory_space<vmem>> -> memref<128x64xf32, #tpu.memory_space<vmem>>
      tpu.enqueue_dma source(%dma_start3A_669 : memref<128x64xf32, #tpu.memory_space<vmem>>) target(%dma_start3A_665 : memref<128x64xf32, #tpu.memory_space<hbm>>) target_semaphore(%arg18 : memref<!tpu.dma_semaphore, #tpu.memory_space<semaphore_mem>>)
      %add3A_670 = arith.constant 3 : i32
      %add3A_671 = arith.addi %add3A_481, %add3A_670 : i32
      %dma_wait3A_672 = arith.constant 3 : i32
      %dma_wait3A_673 = arith.constant 0 : i32
      %dma_wait3A_674 = arith.constant 0 : i32
      %dma_wait3A_675 = tpu.memref_slice %arg6[%dma_wait3A_672, %dma_wait3A_673, %dma_wait3A_674] : memref<8x128x64xf32, #tpu.memory_space<vmem>> -> memref<1x128x64xf32, #tpu.memory_space<vmem>>
      %dma_wait3A_676 = tpu.memref_squeeze %dma_wait3A_675 : memref<1x128x64xf32, #tpu.memory_space<vmem>> -> memref<128x64xf32, #tpu.memory_space<vmem>>
      %dma_wait3A_677 = arith.constant 0 : i32
      %dma_wait3A_678 = arith.constant 0 : i32
      %dma_wait3A_679 = tpu.memref_slice %arg4[%dma_wait3A_677, %dma_wait3A_678] : memref<819200x64xf32, #tpu.memory_space<hbm>> -> memref<128x64xf32, #tpu.memory_space<hbm>>
      %dma_wait3A_680 = arith.constant 0 : i32
      %dma_wait3A_681 = arith.constant 0 : i32
      %dma_wait3A_682 = tpu.memref_slice %arg4[%dma_wait3A_680, %dma_wait3A_681] : memref<819200x64xf32, #tpu.memory_space<hbm>> -> memref<128x64xf32, #tpu.memory_space<hbm>>
      %dma_wait3A_683 = arith.constant 0 : i32
      %dma_wait3A_684 = arith.constant 0 : i32
      %dma_wait3A_685 = tpu.memref_slice %arg6[%dma_wait3A_672, %dma_wait3A_683, %dma_wait3A_684] : memref<8x128x64xf32, #tpu.memory_space<vmem>> -> memref<1x128x64xf32, #tpu.memory_space<vmem>>
      %dma_wait3A_686 = tpu.memref_squeeze %dma_wait3A_685 : memref<1x128x64xf32, #tpu.memory_space<vmem>> -> memref<128x64xf32, #tpu.memory_space<vmem>>
      tpu.wait_dma2 semaphore(%arg18 : memref<!tpu.dma_semaphore, #tpu.memory_space<semaphore_mem>>) src(%dma_wait3A_686 : memref<128x64xf32, #tpu.memory_space<vmem>>) dst(%dma_wait3A_682 : memref<128x64xf32, #tpu.memory_space<hbm>>)
      %add3A_687 = arith.constant 8 : i32
      %add3A_688 = arith.addi %add3A_671, %add3A_687 : i32
      %sub3A_689 = arith.constant 1 : i32
      %sub3A_690 = arith.subi %add3A_688, %sub3A_689 : i32
      %dma_start3A_691 = arith.constant 3 : i32
      %dma_start3A_692 = arith.constant 0 : i32
      %dma_start3A_693 = arith.constant 0 : i32
      %dma_start3A_694 = tpu.memref_slice %arg6[%dma_start3A_691, %dma_start3A_692, %dma_start3A_693] : memref<8x128x64xf32, #tpu.memory_space<vmem>> -> memref<1x128x64xf32, #tpu.memory_space<vmem>>
      %dma_start3A_695 = tpu.memref_squeeze %dma_start3A_694 : memref<1x128x64xf32, #tpu.memory_space<vmem>> -> memref<128x64xf32, #tpu.memory_space<vmem>>
      %dma_start3A_696 = arith.constant 0 : i32
      %dma_start3A_697 = tpu.memref_slice %arg5[%sub3A_690, %dma_start3A_696] : memref<200x128xi32, #tpu.memory_space<vmem>> -> memref<1x128xi32, #tpu.memory_space<vmem>>
      %dma_start3A_698 = tpu.memref_squeeze %dma_start3A_697 : memref<1x128xi32, #tpu.memory_space<vmem>> -> memref<128xi32, #tpu.memory_space<vmem>>
      %dma_start3A_699 = arith.constant 0 : i32
      %dma_start3A_700 = arith.constant 0 : i32
      %dma_start3A_701 = tpu.memref_slice %arg3[%dma_start3A_699, %dma_start3A_700] : memref<1000000x64xf32, #tpu.memory_space<hbm>> -> memref<1000000x64xf32, #tpu.memory_space<hbm>>
      tpu.enqueue_indirect_dma source(%dma_start3A_701 : memref<1000000x64xf32, #tpu.memory_space<hbm>>) target(%dma_start3A_695 : memref<128x64xf32, #tpu.memory_space<vmem>>) offsets(%dma_start3A_698 : memref<128xi32, #tpu.memory_space<vmem>>) semaphore(%arg10 : memref<!tpu.dma_semaphore, #tpu.memory_space<semaphore_mem>>)
      %dma_wait3A_702 = arith.constant 4 : i32
      %dma_wait3A_703 = arith.constant 0 : i32
      %dma_wait3A_704 = arith.constant 0 : i32
      %dma_wait3A_705 = tpu.memref_slice %arg6[%dma_wait3A_702, %dma_wait3A_703, %dma_wait3A_704] : memref<8x128x64xf32, #tpu.memory_space<vmem>> -> memref<1x128x64xf32, #tpu.memory_space<vmem>>
      %dma_wait3A_706 = tpu.memref_squeeze %dma_wait3A_705 : memref<1x128x64xf32, #tpu.memory_space<vmem>> -> memref<128x64xf32, #tpu.memory_space<vmem>>
      %dma_wait3A_707 = arith.constant 0 : i32
      %dma_wait3A_708 = arith.constant 0 : i32
      %dma_wait3A_709 = tpu.memref_slice %arg3[%dma_wait3A_707, %dma_wait3A_708] : memref<1000000x64xf32, #tpu.memory_space<hbm>> -> memref<128x64xf32, #tpu.memory_space<hbm>>
      %dma_wait3A_710 = arith.constant 0 : i32
      %dma_wait3A_711 = arith.constant 0 : i32
      %dma_wait3A_712 = tpu.memref_slice %arg6[%dma_wait3A_702, %dma_wait3A_710, %dma_wait3A_711] : memref<8x128x64xf32, #tpu.memory_space<vmem>> -> memref<1x128x64xf32, #tpu.memory_space<vmem>>
      %dma_wait3A_713 = tpu.memref_squeeze %dma_wait3A_712 : memref<1x128x64xf32, #tpu.memory_space<vmem>> -> memref<128x64xf32, #tpu.memory_space<vmem>>
      %dma_wait3A_714 = arith.constant 0 : i32
      %dma_wait3A_715 = arith.constant 0 : i32
      %dma_wait3A_716 = tpu.memref_slice %arg3[%dma_wait3A_714, %dma_wait3A_715] : memref<1000000x64xf32, #tpu.memory_space<hbm>> -> memref<128x64xf32, #tpu.memory_space<hbm>>
      tpu.wait_dma2 semaphore(%arg11 : memref<!tpu.dma_semaphore, #tpu.memory_space<semaphore_mem>>) src(%dma_wait3A_716 : memref<128x64xf32, #tpu.memory_space<hbm>>) dst(%dma_wait3A_713 : memref<128x64xf32, #tpu.memory_space<vmem>>)
      %add3A_717 = arith.addi %mul3A_2, %add3A_671 : i32
      %mul3A_718 = arith.constant 128 : i32
      %mul3A_719 = arith.muli %add3A_717, %mul3A_718 : i32
      %dma_start3A_720 = arith.constant 4 : i32
      %dma_start3A_721 = arith.constant 0 : i32
      %dma_start3A_722 = arith.constant 0 : i32
      %dma_start3A_723 = tpu.memref_slice %arg6[%dma_start3A_720, %dma_start3A_721, %dma_start3A_722] : memref<8x128x64xf32, #tpu.memory_space<vmem>> -> memref<1x128x64xf32, #tpu.memory_space<vmem>>
      %dma_start3A_724 = tpu.memref_squeeze %dma_start3A_723 : memref<1x128x64xf32, #tpu.memory_space<vmem>> -> memref<128x64xf32, #tpu.memory_space<vmem>>
      %dma_start3A_725 = arith.constant 0 : i32
      %dma_start3A_726 = tpu.memref_slice %arg4[%mul3A_719, %dma_start3A_725] : memref<819200x64xf32, #tpu.memory_space<hbm>> -> memref<128x64xf32, #tpu.memory_space<hbm>>
      %dma_start3A_727 = arith.constant 0 : i32
      %dma_start3A_728 = tpu.memref_slice %arg4[%mul3A_719, %dma_start3A_727] : memref<819200x64xf32, #tpu.memory_space<hbm>> -> memref<128x64xf32, #tpu.memory_space<hbm>>
      %dma_start3A_729 = arith.constant 0 : i32
      %dma_start3A_730 = arith.constant 0 : i32
      %dma_start3A_731 = tpu.memref_slice %arg6[%dma_start3A_720, %dma_start3A_729, %dma_start3A_730] : memref<8x128x64xf32, #tpu.memory_space<vmem>> -> memref<1x128x64xf32, #tpu.memory_space<vmem>>
      %dma_start3A_732 = tpu.memref_squeeze %dma_start3A_731 : memref<1x128x64xf32, #tpu.memory_space<vmem>> -> memref<128x64xf32, #tpu.memory_space<vmem>>
      tpu.enqueue_dma source(%dma_start3A_732 : memref<128x64xf32, #tpu.memory_space<vmem>>) target(%dma_start3A_728 : memref<128x64xf32, #tpu.memory_space<hbm>>) target_semaphore(%arg19 : memref<!tpu.dma_semaphore, #tpu.memory_space<semaphore_mem>>)
      %add3A_733 = arith.constant 4 : i32
      %add3A_734 = arith.addi %add3A_481, %add3A_733 : i32
      %dma_wait3A_735 = arith.constant 4 : i32
      %dma_wait3A_736 = arith.constant 0 : i32
      %dma_wait3A_737 = arith.constant 0 : i32
      %dma_wait3A_738 = tpu.memref_slice %arg6[%dma_wait3A_735, %dma_wait3A_736, %dma_wait3A_737] : memref<8x128x64xf32, #tpu.memory_space<vmem>> -> memref<1x128x64xf32, #tpu.memory_space<vmem>>
      %dma_wait3A_739 = tpu.memref_squeeze %dma_wait3A_738 : memref<1x128x64xf32, #tpu.memory_space<vmem>> -> memref<128x64xf32, #tpu.memory_space<vmem>>
      %dma_wait3A_740 = arith.constant 0 : i32
      %dma_wait3A_741 = arith.constant 0 : i32
      %dma_wait3A_742 = tpu.memref_slice %arg4[%dma_wait3A_740, %dma_wait3A_741] : memref<819200x64xf32, #tpu.memory_space<hbm>> -> memref<128x64xf32, #tpu.memory_space<hbm>>
      %dma_wait3A_743 = arith.constant 0 : i32
      %dma_wait3A_744 = arith.constant 0 : i32
      %dma_wait3A_745 = tpu.memref_slice %arg4[%dma_wait3A_743, %dma_wait3A_744] : memref<819200x64xf32, #tpu.memory_space<hbm>> -> memref<128x64xf32, #tpu.memory_space<hbm>>
      %dma_wait3A_746 = arith.constant 0 : i32
      %dma_wait3A_747 = arith.constant 0 : i32
      %dma_wait3A_748 = tpu.memref_slice %arg6[%dma_wait3A_735, %dma_wait3A_746, %dma_wait3A_747] : memref<8x128x64xf32, #tpu.memory_space<vmem>> -> memref<1x128x64xf32, #tpu.memory_space<vmem>>
      %dma_wait3A_749 = tpu.memref_squeeze %dma_wait3A_748 : memref<1x128x64xf32, #tpu.memory_space<vmem>> -> memref<128x64xf32, #tpu.memory_space<vmem>>
      tpu.wait_dma2 semaphore(%arg19 : memref<!tpu.dma_semaphore, #tpu.memory_space<semaphore_mem>>) src(%dma_wait3A_749 : memref<128x64xf32, #tpu.memory_space<vmem>>) dst(%dma_wait3A_745 : memref<128x64xf32, #tpu.memory_space<hbm>>)
      %add3A_750 = arith.constant 8 : i32
      %add3A_751 = arith.addi %add3A_734, %add3A_750 : i32
      %sub3A_752 = arith.constant 1 : i32
      %sub3A_753 = arith.subi %add3A_751, %sub3A_752 : i32
      %dma_start3A_754 = arith.constant 4 : i32
      %dma_start3A_755 = arith.constant 0 : i32
      %dma_start3A_756 = arith.constant 0 : i32
      %dma_start3A_757 = tpu.memref_slice %arg6[%dma_start3A_754, %dma_start3A_755, %dma_start3A_756] : memref<8x128x64xf32, #tpu.memory_space<vmem>> -> memref<1x128x64xf32, #tpu.memory_space<vmem>>
      %dma_start3A_758 = tpu.memref_squeeze %dma_start3A_757 : memref<1x128x64xf32, #tpu.memory_space<vmem>> -> memref<128x64xf32, #tpu.memory_space<vmem>>
      %dma_start3A_759 = arith.constant 0 : i32
      %dma_start3A_760 = tpu.memref_slice %arg5[%sub3A_753, %dma_start3A_759] : memref<200x128xi32, #tpu.memory_space<vmem>> -> memref<1x128xi32, #tpu.memory_space<vmem>>
      %dma_start3A_761 = tpu.memref_squeeze %dma_start3A_760 : memref<1x128xi32, #tpu.memory_space<vmem>> -> memref<128xi32, #tpu.memory_space<vmem>>
      %dma_start3A_762 = arith.constant 0 : i32
      %dma_start3A_763 = arith.constant 0 : i32
      %dma_start3A_764 = tpu.memref_slice %arg3[%dma_start3A_762, %dma_start3A_763] : memref<1000000x64xf32, #tpu.memory_space<hbm>> -> memref<1000000x64xf32, #tpu.memory_space<hbm>>
      tpu.enqueue_indirect_dma source(%dma_start3A_764 : memref<1000000x64xf32, #tpu.memory_space<hbm>>) target(%dma_start3A_758 : memref<128x64xf32, #tpu.memory_space<vmem>>) offsets(%dma_start3A_761 : memref<128xi32, #tpu.memory_space<vmem>>) semaphore(%arg11 : memref<!tpu.dma_semaphore, #tpu.memory_space<semaphore_mem>>)
      %dma_wait3A_765 = arith.constant 5 : i32
      %dma_wait3A_766 = arith.constant 0 : i32
      %dma_wait3A_767 = arith.constant 0 : i32
      %dma_wait3A_768 = tpu.memref_slice %arg6[%dma_wait3A_765, %dma_wait3A_766, %dma_wait3A_767] : memref<8x128x64xf32, #tpu.memory_space<vmem>> -> memref<1x128x64xf32, #tpu.memory_space<vmem>>
      %dma_wait3A_769 = tpu.memref_squeeze %dma_wait3A_768 : memref<1x128x64xf32, #tpu.memory_space<vmem>> -> memref<128x64xf32, #tpu.memory_space<vmem>>
      %dma_wait3A_770 = arith.constant 0 : i32
      %dma_wait3A_771 = arith.constant 0 : i32
      %dma_wait3A_772 = tpu.memref_slice %arg3[%dma_wait3A_770, %dma_wait3A_771] : memref<1000000x64xf32, #tpu.memory_space<hbm>> -> memref<128x64xf32, #tpu.memory_space<hbm>>
      %dma_wait3A_773 = arith.constant 0 : i32
      %dma_wait3A_774 = arith.constant 0 : i32
      %dma_wait3A_775 = tpu.memref_slice %arg6[%dma_wait3A_765, %dma_wait3A_773, %dma_wait3A_774] : memref<8x128x64xf32, #tpu.memory_space<vmem>> -> memref<1x128x64xf32, #tpu.memory_space<vmem>>
      %dma_wait3A_776 = tpu.memref_squeeze %dma_wait3A_775 : memref<1x128x64xf32, #tpu.memory_space<vmem>> -> memref<128x64xf32, #tpu.memory_space<vmem>>
      %dma_wait3A_777 = arith.constant 0 : i32
      %dma_wait3A_778 = arith.constant 0 : i32
      %dma_wait3A_779 = tpu.memref_slice %arg3[%dma_wait3A_777, %dma_wait3A_778] : memref<1000000x64xf32, #tpu.memory_space<hbm>> -> memref<128x64xf32, #tpu.memory_space<hbm>>
      tpu.wait_dma2 semaphore(%arg12 : memref<!tpu.dma_semaphore, #tpu.memory_space<semaphore_mem>>) src(%dma_wait3A_779 : memref<128x64xf32, #tpu.memory_space<hbm>>) dst(%dma_wait3A_776 : memref<128x64xf32, #tpu.memory_space<vmem>>)
      %add3A_780 = arith.addi %mul3A_2, %add3A_734 : i32
      %mul3A_781 = arith.constant 128 : i32
      %mul3A_782 = arith.muli %add3A_780, %mul3A_781 : i32
      %dma_start3A_783 = arith.constant 5 : i32
      %dma_start3A_784 = arith.constant 0 : i32
      %dma_start3A_785 = arith.constant 0 : i32
      %dma_start3A_786 = tpu.memref_slice %arg6[%dma_start3A_783, %dma_start3A_784, %dma_start3A_785] : memref<8x128x64xf32, #tpu.memory_space<vmem>> -> memref<1x128x64xf32, #tpu.memory_space<vmem>>
      %dma_start3A_787 = tpu.memref_squeeze %dma_start3A_786 : memref<1x128x64xf32, #tpu.memory_space<vmem>> -> memref<128x64xf32, #tpu.memory_space<vmem>>
      %dma_start3A_788 = arith.constant 0 : i32
      %dma_start3A_789 = tpu.memref_slice %arg4[%mul3A_782, %dma_start3A_788] : memref<819200x64xf32, #tpu.memory_space<hbm>> -> memref<128x64xf32, #tpu.memory_space<hbm>>
      %dma_start3A_790 = arith.constant 0 : i32
      %dma_start3A_791 = tpu.memref_slice %arg4[%mul3A_782, %dma_start3A_790] : memref<819200x64xf32, #tpu.memory_space<hbm>> -> memref<128x64xf32, #tpu.memory_space<hbm>>
      %dma_start3A_792 = arith.constant 0 : i32
      %dma_start3A_793 = arith.constant 0 : i32
      %dma_start3A_794 = tpu.memref_slice %arg6[%dma_start3A_783, %dma_start3A_792, %dma_start3A_793] : memref<8x128x64xf32, #tpu.memory_space<vmem>> -> memref<1x128x64xf32, #tpu.memory_space<vmem>>
      %dma_start3A_795 = tpu.memref_squeeze %dma_start3A_794 : memref<1x128x64xf32, #tpu.memory_space<vmem>> -> memref<128x64xf32, #tpu.memory_space<vmem>>
      tpu.enqueue_dma source(%dma_start3A_795 : memref<128x64xf32, #tpu.memory_space<vmem>>) target(%dma_start3A_791 : memref<128x64xf32, #tpu.memory_space<hbm>>) target_semaphore(%arg20 : memref<!tpu.dma_semaphore, #tpu.memory_space<semaphore_mem>>)
      %add3A_796 = arith.constant 5 : i32
      %add3A_797 = arith.addi %add3A_481, %add3A_796 : i32
      %dma_wait3A_798 = arith.constant 5 : i32
      %dma_wait3A_799 = arith.constant 0 : i32
      %dma_wait3A_800 = arith.constant 0 : i32
      %dma_wait3A_801 = tpu.memref_slice %arg6[%dma_wait3A_798, %dma_wait3A_799, %dma_wait3A_800] : memref<8x128x64xf32, #tpu.memory_space<vmem>> -> memref<1x128x64xf32, #tpu.memory_space<vmem>>
      %dma_wait3A_802 = tpu.memref_squeeze %dma_wait3A_801 : memref<1x128x64xf32, #tpu.memory_space<vmem>> -> memref<128x64xf32, #tpu.memory_space<vmem>>
      %dma_wait3A_803 = arith.constant 0 : i32
      %dma_wait3A_804 = arith.constant 0 : i32
      %dma_wait3A_805 = tpu.memref_slice %arg4[%dma_wait3A_803, %dma_wait3A_804] : memref<819200x64xf32, #tpu.memory_space<hbm>> -> memref<128x64xf32, #tpu.memory_space<hbm>>
      %dma_wait3A_806 = arith.constant 0 : i32
      %dma_wait3A_807 = arith.constant 0 : i32
      %dma_wait3A_808 = tpu.memref_slice %arg4[%dma_wait3A_806, %dma_wait3A_807] : memref<819200x64xf32, #tpu.memory_space<hbm>> -> memref<128x64xf32, #tpu.memory_space<hbm>>
      %dma_wait3A_809 = arith.constant 0 : i32
      %dma_wait3A_810 = arith.constant 0 : i32
      %dma_wait3A_811 = tpu.memref_slice %arg6[%dma_wait3A_798, %dma_wait3A_809, %dma_wait3A_810] : memref<8x128x64xf32, #tpu.memory_space<vmem>> -> memref<1x128x64xf32, #tpu.memory_space<vmem>>
      %dma_wait3A_812 = tpu.memref_squeeze %dma_wait3A_811 : memref<1x128x64xf32, #tpu.memory_space<vmem>> -> memref<128x64xf32, #tpu.memory_space<vmem>>
      tpu.wait_dma2 semaphore(%arg20 : memref<!tpu.dma_semaphore, #tpu.memory_space<semaphore_mem>>) src(%dma_wait3A_812 : memref<128x64xf32, #tpu.memory_space<vmem>>) dst(%dma_wait3A_808 : memref<128x64xf32, #tpu.memory_space<hbm>>)
      %add3A_813 = arith.constant 8 : i32
      %add3A_814 = arith.addi %add3A_797, %add3A_813 : i32
      %sub3A_815 = arith.constant 1 : i32
      %sub3A_816 = arith.subi %add3A_814, %sub3A_815 : i32
      %dma_start3A_817 = arith.constant 5 : i32
      %dma_start3A_818 = arith.constant 0 : i32
      %dma_start3A_819 = arith.constant 0 : i32
      %dma_start3A_820 = tpu.memref_slice %arg6[%dma_start3A_817, %dma_start3A_818, %dma_start3A_819] : memref<8x128x64xf32, #tpu.memory_space<vmem>> -> memref<1x128x64xf32, #tpu.memory_space<vmem>>
      %dma_start3A_821 = tpu.memref_squeeze %dma_start3A_820 : memref<1x128x64xf32, #tpu.memory_space<vmem>> -> memref<128x64xf32, #tpu.memory_space<vmem>>
      %dma_start3A_822 = arith.constant 0 : i32
      %dma_start3A_823 = tpu.memref_slice %arg5[%sub3A_816, %dma_start3A_822] : memref<200x128xi32, #tpu.memory_space<vmem>> -> memref<1x128xi32, #tpu.memory_space<vmem>>
      %dma_start3A_824 = tpu.memref_squeeze %dma_start3A_823 : memref<1x128xi32, #tpu.memory_space<vmem>> -> memref<128xi32, #tpu.memory_space<vmem>>
      %dma_start3A_825 = arith.constant 0 : i32
      %dma_start3A_826 = arith.constant 0 : i32
      %dma_start3A_827 = tpu.memref_slice %arg3[%dma_start3A_825, %dma_start3A_826] : memref<1000000x64xf32, #tpu.memory_space<hbm>> -> memref<1000000x64xf32, #tpu.memory_space<hbm>>
      tpu.enqueue_indirect_dma source(%dma_start3A_827 : memref<1000000x64xf32, #tpu.memory_space<hbm>>) target(%dma_start3A_821 : memref<128x64xf32, #tpu.memory_space<vmem>>) offsets(%dma_start3A_824 : memref<128xi32, #tpu.memory_space<vmem>>) semaphore(%arg12 : memref<!tpu.dma_semaphore, #tpu.memory_space<semaphore_mem>>)
      %dma_wait3A_828 = arith.constant 6 : i32
      %dma_wait3A_829 = arith.constant 0 : i32
      %dma_wait3A_830 = arith.constant 0 : i32
      %dma_wait3A_831 = tpu.memref_slice %arg6[%dma_wait3A_828, %dma_wait3A_829, %dma_wait3A_830] : memref<8x128x64xf32, #tpu.memory_space<vmem>> -> memref<1x128x64xf32, #tpu.memory_space<vmem>>
      %dma_wait3A_832 = tpu.memref_squeeze %dma_wait3A_831 : memref<1x128x64xf32, #tpu.memory_space<vmem>> -> memref<128x64xf32, #tpu.memory_space<vmem>>
      %dma_wait3A_833 = arith.constant 0 : i32
      %dma_wait3A_834 = arith.constant 0 : i32
      %dma_wait3A_835 = tpu.memref_slice %arg3[%dma_wait3A_833, %dma_wait3A_834] : memref<1000000x64xf32, #tpu.memory_space<hbm>> -> memref<128x64xf32, #tpu.memory_space<hbm>>
      %dma_wait3A_836 = arith.constant 0 : i32
      %dma_wait3A_837 = arith.constant 0 : i32
      %dma_wait3A_838 = tpu.memref_slice %arg6[%dma_wait3A_828, %dma_wait3A_836, %dma_wait3A_837] : memref<8x128x64xf32, #tpu.memory_space<vmem>> -> memref<1x128x64xf32, #tpu.memory_space<vmem>>
      %dma_wait3A_839 = tpu.memref_squeeze %dma_wait3A_838 : memref<1x128x64xf32, #tpu.memory_space<vmem>> -> memref<128x64xf32, #tpu.memory_space<vmem>>
      %dma_wait3A_840 = arith.constant 0 : i32
      %dma_wait3A_841 = arith.constant 0 : i32
      %dma_wait3A_842 = tpu.memref_slice %arg3[%dma_wait3A_840, %dma_wait3A_841] : memref<1000000x64xf32, #tpu.memory_space<hbm>> -> memref<128x64xf32, #tpu.memory_space<hbm>>
      tpu.wait_dma2 semaphore(%arg13 : memref<!tpu.dma_semaphore, #tpu.memory_space<semaphore_mem>>) src(%dma_wait3A_842 : memref<128x64xf32, #tpu.memory_space<hbm>>) dst(%dma_wait3A_839 : memref<128x64xf32, #tpu.memory_space<vmem>>)
      %add3A_843 = arith.addi %mul3A_2, %add3A_797 : i32
      %mul3A_844 = arith.constant 128 : i32
      %mul3A_845 = arith.muli %add3A_843, %mul3A_844 : i32
      %dma_start3A_846 = arith.constant 6 : i32
      %dma_start3A_847 = arith.constant 0 : i32
      %dma_start3A_848 = arith.constant 0 : i32
      %dma_start3A_849 = tpu.memref_slice %arg6[%dma_start3A_846, %dma_start3A_847, %dma_start3A_848] : memref<8x128x64xf32, #tpu.memory_space<vmem>> -> memref<1x128x64xf32, #tpu.memory_space<vmem>>
      %dma_start3A_850 = tpu.memref_squeeze %dma_start3A_849 : memref<1x128x64xf32, #tpu.memory_space<vmem>> -> memref<128x64xf32, #tpu.memory_space<vmem>>
      %dma_start3A_851 = arith.constant 0 : i32
      %dma_start3A_852 = tpu.memref_slice %arg4[%mul3A_845, %dma_start3A_851] : memref<819200x64xf32, #tpu.memory_space<hbm>> -> memref<128x64xf32, #tpu.memory_space<hbm>>
      %dma_start3A_853 = arith.constant 0 : i32
      %dma_start3A_854 = tpu.memref_slice %arg4[%mul3A_845, %dma_start3A_853] : memref<819200x64xf32, #tpu.memory_space<hbm>> -> memref<128x64xf32, #tpu.memory_space<hbm>>
      %dma_start3A_855 = arith.constant 0 : i32
      %dma_start3A_856 = arith.constant 0 : i32
      %dma_start3A_857 = tpu.memref_slice %arg6[%dma_start3A_846, %dma_start3A_855, %dma_start3A_856] : memref<8x128x64xf32, #tpu.memory_space<vmem>> -> memref<1x128x64xf32, #tpu.memory_space<vmem>>
      %dma_start3A_858 = tpu.memref_squeeze %dma_start3A_857 : memref<1x128x64xf32, #tpu.memory_space<vmem>> -> memref<128x64xf32, #tpu.memory_space<vmem>>
      tpu.enqueue_dma source(%dma_start3A_858 : memref<128x64xf32, #tpu.memory_space<vmem>>) target(%dma_start3A_854 : memref<128x64xf32, #tpu.memory_space<hbm>>) target_semaphore(%arg21 : memref<!tpu.dma_semaphore, #tpu.memory_space<semaphore_mem>>)
      %add3A_859 = arith.constant 6 : i32
      %add3A_860 = arith.addi %add3A_481, %add3A_859 : i32
      %dma_wait3A_861 = arith.constant 6 : i32
      %dma_wait3A_862 = arith.constant 0 : i32
      %dma_wait3A_863 = arith.constant 0 : i32
      %dma_wait3A_864 = tpu.memref_slice %arg6[%dma_wait3A_861, %dma_wait3A_862, %dma_wait3A_863] : memref<8x128x64xf32, #tpu.memory_space<vmem>> -> memref<1x128x64xf32, #tpu.memory_space<vmem>>
      %dma_wait3A_865 = tpu.memref_squeeze %dma_wait3A_864 : memref<1x128x64xf32, #tpu.memory_space<vmem>> -> memref<128x64xf32, #tpu.memory_space<vmem>>
      %dma_wait3A_866 = arith.constant 0 : i32
      %dma_wait3A_867 = arith.constant 0 : i32
      %dma_wait3A_868 = tpu.memref_slice %arg4[%dma_wait3A_866, %dma_wait3A_867] : memref<819200x64xf32, #tpu.memory_space<hbm>> -> memref<128x64xf32, #tpu.memory_space<hbm>>
      %dma_wait3A_869 = arith.constant 0 : i32
      %dma_wait3A_870 = arith.constant 0 : i32
      %dma_wait3A_871 = tpu.memref_slice %arg4[%dma_wait3A_869, %dma_wait3A_870] : memref<819200x64xf32, #tpu.memory_space<hbm>> -> memref<128x64xf32, #tpu.memory_space<hbm>>
      %dma_wait3A_872 = arith.constant 0 : i32
      %dma_wait3A_873 = arith.constant 0 : i32
      %dma_wait3A_874 = tpu.memref_slice %arg6[%dma_wait3A_861, %dma_wait3A_872, %dma_wait3A_873] : memref<8x128x64xf32, #tpu.memory_space<vmem>> -> memref<1x128x64xf32, #tpu.memory_space<vmem>>
      %dma_wait3A_875 = tpu.memref_squeeze %dma_wait3A_874 : memref<1x128x64xf32, #tpu.memory_space<vmem>> -> memref<128x64xf32, #tpu.memory_space<vmem>>
      tpu.wait_dma2 semaphore(%arg21 : memref<!tpu.dma_semaphore, #tpu.memory_space<semaphore_mem>>) src(%dma_wait3A_875 : memref<128x64xf32, #tpu.memory_space<vmem>>) dst(%dma_wait3A_871 : memref<128x64xf32, #tpu.memory_space<hbm>>)
      %add3A_876 = arith.constant 8 : i32
      %add3A_877 = arith.addi %add3A_860, %add3A_876 : i32
      %sub3A_878 = arith.constant 1 : i32
      %sub3A_879 = arith.subi %add3A_877, %sub3A_878 : i32
      %dma_start3A_880 = arith.constant 6 : i32
      %dma_start3A_881 = arith.constant 0 : i32
      %dma_start3A_882 = arith.constant 0 : i32
      %dma_start3A_883 = tpu.memref_slice %arg6[%dma_start3A_880, %dma_start3A_881, %dma_start3A_882] : memref<8x128x64xf32, #tpu.memory_space<vmem>> -> memref<1x128x64xf32, #tpu.memory_space<vmem>>
      %dma_start3A_884 = tpu.memref_squeeze %dma_start3A_883 : memref<1x128x64xf32, #tpu.memory_space<vmem>> -> memref<128x64xf32, #tpu.memory_space<vmem>>
      %dma_start3A_885 = arith.constant 0 : i32
      %dma_start3A_886 = tpu.memref_slice %arg5[%sub3A_879, %dma_start3A_885] : memref<200x128xi32, #tpu.memory_space<vmem>> -> memref<1x128xi32, #tpu.memory_space<vmem>>
      %dma_start3A_887 = tpu.memref_squeeze %dma_start3A_886 : memref<1x128xi32, #tpu.memory_space<vmem>> -> memref<128xi32, #tpu.memory_space<vmem>>
      %dma_start3A_888 = arith.constant 0 : i32
      %dma_start3A_889 = arith.constant 0 : i32
      %dma_start3A_890 = tpu.memref_slice %arg3[%dma_start3A_888, %dma_start3A_889] : memref<1000000x64xf32, #tpu.memory_space<hbm>> -> memref<1000000x64xf32, #tpu.memory_space<hbm>>
      tpu.enqueue_indirect_dma source(%dma_start3A_890 : memref<1000000x64xf32, #tpu.memory_space<hbm>>) target(%dma_start3A_884 : memref<128x64xf32, #tpu.memory_space<vmem>>) offsets(%dma_start3A_887 : memref<128xi32, #tpu.memory_space<vmem>>) semaphore(%arg13 : memref<!tpu.dma_semaphore, #tpu.memory_space<semaphore_mem>>)
      %dma_wait3A_891 = arith.constant 7 : i32
      %dma_wait3A_892 = arith.constant 0 : i32
      %dma_wait3A_893 = arith.constant 0 : i32
      %dma_wait3A_894 = tpu.memref_slice %arg6[%dma_wait3A_891, %dma_wait3A_892, %dma_wait3A_893] : memref<8x128x64xf32, #tpu.memory_space<vmem>> -> memref<1x128x64xf32, #tpu.memory_space<vmem>>
      %dma_wait3A_895 = tpu.memref_squeeze %dma_wait3A_894 : memref<1x128x64xf32, #tpu.memory_space<vmem>> -> memref<128x64xf32, #tpu.memory_space<vmem>>
      %dma_wait3A_896 = arith.constant 0 : i32
      %dma_wait3A_897 = arith.constant 0 : i32
      %dma_wait3A_898 = tpu.memref_slice %arg3[%dma_wait3A_896, %dma_wait3A_897] : memref<1000000x64xf32, #tpu.memory_space<hbm>> -> memref<128x64xf32, #tpu.memory_space<hbm>>
      %dma_wait3A_899 = arith.constant 0 : i32
      %dma_wait3A_900 = arith.constant 0 : i32
      %dma_wait3A_901 = tpu.memref_slice %arg6[%dma_wait3A_891, %dma_wait3A_899, %dma_wait3A_900] : memref<8x128x64xf32, #tpu.memory_space<vmem>> -> memref<1x128x64xf32, #tpu.memory_space<vmem>>
      %dma_wait3A_902 = tpu.memref_squeeze %dma_wait3A_901 : memref<1x128x64xf32, #tpu.memory_space<vmem>> -> memref<128x64xf32, #tpu.memory_space<vmem>>
      %dma_wait3A_903 = arith.constant 0 : i32
      %dma_wait3A_904 = arith.constant 0 : i32
      %dma_wait3A_905 = tpu.memref_slice %arg3[%dma_wait3A_903, %dma_wait3A_904] : memref<1000000x64xf32, #tpu.memory_space<hbm>> -> memref<128x64xf32, #tpu.memory_space<hbm>>
      tpu.wait_dma2 semaphore(%arg14 : memref<!tpu.dma_semaphore, #tpu.memory_space<semaphore_mem>>) src(%dma_wait3A_905 : memref<128x64xf32, #tpu.memory_space<hbm>>) dst(%dma_wait3A_902 : memref<128x64xf32, #tpu.memory_space<vmem>>)
      %add3A_906 = arith.addi %mul3A_2, %add3A_860 : i32
      %mul3A_907 = arith.constant 128 : i32
      %mul3A_908 = arith.muli %add3A_906, %mul3A_907 : i32
      %dma_start3A_909 = arith.constant 7 : i32
      %dma_start3A_910 = arith.constant 0 : i32
      %dma_start3A_911 = arith.constant 0 : i32
      %dma_start3A_912 = tpu.memref_slice %arg6[%dma_start3A_909, %dma_start3A_910, %dma_start3A_911] : memref<8x128x64xf32, #tpu.memory_space<vmem>> -> memref<1x128x64xf32, #tpu.memory_space<vmem>>
      %dma_start3A_913 = tpu.memref_squeeze %dma_start3A_912 : memref<1x128x64xf32, #tpu.memory_space<vmem>> -> memref<128x64xf32, #tpu.memory_space<vmem>>
      %dma_start3A_914 = arith.constant 0 : i32
      %dma_start3A_915 = tpu.memref_slice %arg4[%mul3A_908, %dma_start3A_914] : memref<819200x64xf32, #tpu.memory_space<hbm>> -> memref<128x64xf32, #tpu.memory_space<hbm>>
      %dma_start3A_916 = arith.constant 0 : i32
      %dma_start3A_917 = tpu.memref_slice %arg4[%mul3A_908, %dma_start3A_916] : memref<819200x64xf32, #tpu.memory_space<hbm>> -> memref<128x64xf32, #tpu.memory_space<hbm>>
      %dma_start3A_918 = arith.constant 0 : i32
      %dma_start3A_919 = arith.constant 0 : i32
      %dma_start3A_920 = tpu.memref_slice %arg6[%dma_start3A_909, %dma_start3A_918, %dma_start3A_919] : memref<8x128x64xf32, #tpu.memory_space<vmem>> -> memref<1x128x64xf32, #tpu.memory_space<vmem>>
      %dma_start3A_921 = tpu.memref_squeeze %dma_start3A_920 : memref<1x128x64xf32, #tpu.memory_space<vmem>> -> memref<128x64xf32, #tpu.memory_space<vmem>>
      tpu.enqueue_dma source(%dma_start3A_921 : memref<128x64xf32, #tpu.memory_space<vmem>>) target(%dma_start3A_917 : memref<128x64xf32, #tpu.memory_space<hbm>>) target_semaphore(%arg22 : memref<!tpu.dma_semaphore, #tpu.memory_space<semaphore_mem>>)
      %add3A_922 = arith.constant 7 : i32
      %add3A_923 = arith.addi %add3A_481, %add3A_922 : i32
      %dma_wait3A_924 = arith.constant 7 : i32
      %dma_wait3A_925 = arith.constant 0 : i32
      %dma_wait3A_926 = arith.constant 0 : i32
      %dma_wait3A_927 = tpu.memref_slice %arg6[%dma_wait3A_924, %dma_wait3A_925, %dma_wait3A_926] : memref<8x128x64xf32, #tpu.memory_space<vmem>> -> memref<1x128x64xf32, #tpu.memory_space<vmem>>
      %dma_wait3A_928 = tpu.memref_squeeze %dma_wait3A_927 : memref<1x128x64xf32, #tpu.memory_space<vmem>> -> memref<128x64xf32, #tpu.memory_space<vmem>>
      %dma_wait3A_929 = arith.constant 0 : i32
      %dma_wait3A_930 = arith.constant 0 : i32
      %dma_wait3A_931 = tpu.memref_slice %arg4[%dma_wait3A_929, %dma_wait3A_930] : memref<819200x64xf32, #tpu.memory_space<hbm>> -> memref<128x64xf32, #tpu.memory_space<hbm>>
      %dma_wait3A_932 = arith.constant 0 : i32
      %dma_wait3A_933 = arith.constant 0 : i32
      %dma_wait3A_934 = tpu.memref_slice %arg4[%dma_wait3A_932, %dma_wait3A_933] : memref<819200x64xf32, #tpu.memory_space<hbm>> -> memref<128x64xf32, #tpu.memory_space<hbm>>
      %dma_wait3A_935 = arith.constant 0 : i32
      %dma_wait3A_936 = arith.constant 0 : i32
      %dma_wait3A_937 = tpu.memref_slice %arg6[%dma_wait3A_924, %dma_wait3A_935, %dma_wait3A_936] : memref<8x128x64xf32, #tpu.memory_space<vmem>> -> memref<1x128x64xf32, #tpu.memory_space<vmem>>
      %dma_wait3A_938 = tpu.memref_squeeze %dma_wait3A_937 : memref<1x128x64xf32, #tpu.memory_space<vmem>> -> memref<128x64xf32, #tpu.memory_space<vmem>>
      tpu.wait_dma2 semaphore(%arg22 : memref<!tpu.dma_semaphore, #tpu.memory_space<semaphore_mem>>) src(%dma_wait3A_938 : memref<128x64xf32, #tpu.memory_space<vmem>>) dst(%dma_wait3A_934 : memref<128x64xf32, #tpu.memory_space<hbm>>)
      %add3A_939 = arith.constant 8 : i32
      %add3A_940 = arith.addi %add3A_923, %add3A_939 : i32
      %sub3A_941 = arith.constant 1 : i32
      %sub3A_942 = arith.subi %add3A_940, %sub3A_941 : i32
      %dma_start3A_943 = arith.constant 7 : i32
      %dma_start3A_944 = arith.constant 0 : i32
      %dma_start3A_945 = arith.constant 0 : i32
      %dma_start3A_946 = tpu.memref_slice %arg6[%dma_start3A_943, %dma_start3A_944, %dma_start3A_945] : memref<8x128x64xf32, #tpu.memory_space<vmem>> -> memref<1x128x64xf32, #tpu.memory_space<vmem>>
      %dma_start3A_947 = tpu.memref_squeeze %dma_start3A_946 : memref<1x128x64xf32, #tpu.memory_space<vmem>> -> memref<128x64xf32, #tpu.memory_space<vmem>>
      %dma_start3A_948 = arith.constant 0 : i32
      %dma_start3A_949 = tpu.memref_slice %arg5[%sub3A_942, %dma_start3A_948] : memref<200x128xi32, #tpu.memory_space<vmem>> -> memref<1x128xi32, #tpu.memory_space<vmem>>
      %dma_start3A_950 = tpu.memref_squeeze %dma_start3A_949 : memref<1x128xi32, #tpu.memory_space<vmem>> -> memref<128xi32, #tpu.memory_space<vmem>>
      %dma_start3A_951 = arith.constant 0 : i32
      %dma_start3A_952 = arith.constant 0 : i32
      %dma_start3A_953 = tpu.memref_slice %arg3[%dma_start3A_951, %dma_start3A_952] : memref<1000000x64xf32, #tpu.memory_space<hbm>> -> memref<1000000x64xf32, #tpu.memory_space<hbm>>
      tpu.enqueue_indirect_dma source(%dma_start3A_953 : memref<1000000x64xf32, #tpu.memory_space<hbm>>) target(%dma_start3A_947 : memref<128x64xf32, #tpu.memory_space<vmem>>) offsets(%dma_start3A_950 : memref<128xi32, #tpu.memory_space<vmem>>) semaphore(%arg14 : memref<!tpu.dma_semaphore, #tpu.memory_space<semaphore_mem>>)
      %dma_wait3A_954 = arith.constant 0 : i32
      %dma_wait3A_955 = arith.constant 0 : i32
      %dma_wait3A_956 = arith.constant 0 : i32
      %dma_wait3A_957 = tpu.memref_slice %arg6[%dma_wait3A_954, %dma_wait3A_955, %dma_wait3A_956] : memref<8x128x64xf32, #tpu.memory_space<vmem>> -> memref<1x128x64xf32, #tpu.memory_space<vmem>>
      %dma_wait3A_958 = tpu.memref_squeeze %dma_wait3A_957 : memref<1x128x64xf32, #tpu.memory_space<vmem>> -> memref<128x64xf32, #tpu.memory_space<vmem>>
      %dma_wait3A_959 = arith.constant 0 : i32
      %dma_wait3A_960 = arith.constant 0 : i32
      %dma_wait3A_961 = tpu.memref_slice %arg3[%dma_wait3A_959, %dma_wait3A_960] : memref<1000000x64xf32, #tpu.memory_space<hbm>> -> memref<128x64xf32, #tpu.memory_space<hbm>>
      %dma_wait3A_962 = arith.constant 0 : i32
      %dma_wait3A_963 = arith.constant 0 : i32
      %dma_wait3A_964 = tpu.memref_slice %arg6[%dma_wait3A_954, %dma_wait3A_962, %dma_wait3A_963] : memref<8x128x64xf32, #tpu.memory_space<vmem>> -> memref<1x128x64xf32, #tpu.memory_space<vmem>>
      %dma_wait3A_965 = tpu.memref_squeeze %dma_wait3A_964 : memref<1x128x64xf32, #tpu.memory_space<vmem>> -> memref<128x64xf32, #tpu.memory_space<vmem>>
      %dma_wait3A_966 = arith.constant 0 : i32
      %dma_wait3A_967 = arith.constant 0 : i32
      %dma_wait3A_968 = tpu.memref_slice %arg3[%dma_wait3A_966, %dma_wait3A_967] : memref<1000000x64xf32, #tpu.memory_space<hbm>> -> memref<128x64xf32, #tpu.memory_space<hbm>>
      tpu.wait_dma2 semaphore(%arg7 : memref<!tpu.dma_semaphore, #tpu.memory_space<semaphore_mem>>) src(%dma_wait3A_968 : memref<128x64xf32, #tpu.memory_space<hbm>>) dst(%dma_wait3A_965 : memref<128x64xf32, #tpu.memory_space<vmem>>)
      %add3A_969 = arith.addi %mul3A_2, %add3A_923 : i32
      %mul3A_970 = arith.constant 128 : i32
      %mul3A_971 = arith.muli %add3A_969, %mul3A_970 : i32
      %dma_start3A_972 = arith.constant 0 : i32
      %dma_start3A_973 = arith.constant 0 : i32
      %dma_start3A_974 = arith.constant 0 : i32
      %dma_start3A_975 = tpu.memref_slice %arg6[%dma_start3A_972, %dma_start3A_973, %dma_start3A_974] : memref<8x128x64xf32, #tpu.memory_space<vmem>> -> memref<1x128x64xf32, #tpu.memory_space<vmem>>
      %dma_start3A_976 = tpu.memref_squeeze %dma_start3A_975 : memref<1x128x64xf32, #tpu.memory_space<vmem>> -> memref<128x64xf32, #tpu.memory_space<vmem>>
      %dma_start3A_977 = arith.constant 0 : i32
      %dma_start3A_978 = tpu.memref_slice %arg4[%mul3A_971, %dma_start3A_977] : memref<819200x64xf32, #tpu.memory_space<hbm>> -> memref<128x64xf32, #tpu.memory_space<hbm>>
      %dma_start3A_979 = arith.constant 0 : i32
      %dma_start3A_980 = tpu.memref_slice %arg4[%mul3A_971, %dma_start3A_979] : memref<819200x64xf32, #tpu.memory_space<hbm>> -> memref<128x64xf32, #tpu.memory_space<hbm>>
      %dma_start3A_981 = arith.constant 0 : i32
      %dma_start3A_982 = arith.constant 0 : i32
      %dma_start3A_983 = tpu.memref_slice %arg6[%dma_start3A_972, %dma_start3A_981, %dma_start3A_982] : memref<8x128x64xf32, #tpu.memory_space<vmem>> -> memref<1x128x64xf32, #tpu.memory_space<vmem>>
      %dma_start3A_984 = tpu.memref_squeeze %dma_start3A_983 : memref<1x128x64xf32, #tpu.memory_space<vmem>> -> memref<128x64xf32, #tpu.memory_space<vmem>>
      tpu.enqueue_dma source(%dma_start3A_984 : memref<128x64xf32, #tpu.memory_space<vmem>>) target(%dma_start3A_980 : memref<128x64xf32, #tpu.memory_space<hbm>>) target_semaphore(%arg15 : memref<!tpu.dma_semaphore, #tpu.memory_space<semaphore_mem>>)
    }
    %scan3A_132 = arith.constant 24 : i32
    %dma_wait3A_133 = arith.constant 1 : i32
    %dma_wait3A_134 = arith.constant 0 : i32
    %dma_wait3A_135 = arith.constant 0 : i32
    %dma_wait3A_136 = tpu.memref_slice %arg6[%dma_wait3A_133, %dma_wait3A_134, %dma_wait3A_135] : memref<8x128x64xf32, #tpu.memory_space<vmem>> -> memref<1x128x64xf32, #tpu.memory_space<vmem>>
    %dma_wait3A_137 = tpu.memref_squeeze %dma_wait3A_136 : memref<1x128x64xf32, #tpu.memory_space<vmem>> -> memref<128x64xf32, #tpu.memory_space<vmem>>
    %dma_wait3A_138 = arith.constant 0 : i32
    %dma_wait3A_139 = arith.constant 0 : i32
    %dma_wait3A_140 = tpu.memref_slice %arg3[%dma_wait3A_138, %dma_wait3A_139] : memref<1000000x64xf32, #tpu.memory_space<hbm>> -> memref<128x64xf32, #tpu.memory_space<hbm>>
    %dma_wait3A_141 = arith.constant 0 : i32
    %dma_wait3A_142 = arith.constant 0 : i32
    %dma_wait3A_143 = tpu.memref_slice %arg6[%dma_wait3A_133, %dma_wait3A_141, %dma_wait3A_142] : memref<8x128x64xf32, #tpu.memory_space<vmem>> -> memref<1x128x64xf32, #tpu.memory_space<vmem>>
    %dma_wait3A_144 = tpu.memref_squeeze %dma_wait3A_143 : memref<1x128x64xf32, #tpu.memory_space<vmem>> -> memref<128x64xf32, #tpu.memory_space<vmem>>
    %dma_wait3A_145 = arith.constant 0 : i32
    %dma_wait3A_146 = arith.constant 0 : i32
    %dma_wait3A_147 = tpu.memref_slice %arg3[%dma_wait3A_145, %dma_wait3A_146] : memref<1000000x64xf32, #tpu.memory_space<hbm>> -> memref<128x64xf32, #tpu.memory_space<hbm>>
    tpu.wait_dma2 semaphore(%arg8 : memref<!tpu.dma_semaphore, #tpu.memory_space<semaphore_mem>>) src(%dma_wait3A_147 : memref<128x64xf32, #tpu.memory_space<hbm>>) dst(%dma_wait3A_144 : memref<128x64xf32, #tpu.memory_space<vmem>>)
    %add3A_148 = arith.constant 193 : i32
    %add3A_149 = arith.addi %mul3A_2, %add3A_148 : i32
    %mul3A_150 = arith.constant 128 : i32
    %mul3A_151 = arith.muli %add3A_149, %mul3A_150 : i32
    %dma_start3A_152 = arith.constant 1 : i32
    %dma_start3A_153 = arith.constant 0 : i32
    %dma_start3A_154 = arith.constant 0 : i32
    %dma_start3A_155 = tpu.memref_slice %arg6[%dma_start3A_152, %dma_start3A_153, %dma_start3A_154] : memref<8x128x64xf32, #tpu.memory_space<vmem>> -> memref<1x128x64xf32, #tpu.memory_space<vmem>>
    %dma_start3A_156 = tpu.memref_squeeze %dma_start3A_155 : memref<1x128x64xf32, #tpu.memory_space<vmem>> -> memref<128x64xf32, #tpu.memory_space<vmem>>
    %dma_start3A_157 = arith.constant 0 : i32
    %dma_start3A_158 = tpu.memref_slice %arg4[%mul3A_151, %dma_start3A_157] : memref<819200x64xf32, #tpu.memory_space<hbm>> -> memref<128x64xf32, #tpu.memory_space<hbm>>
    %dma_start3A_159 = arith.constant 0 : i32
    %dma_start3A_160 = tpu.memref_slice %arg4[%mul3A_151, %dma_start3A_159] : memref<819200x64xf32, #tpu.memory_space<hbm>> -> memref<128x64xf32, #tpu.memory_space<hbm>>
    %dma_start3A_161 = arith.constant 0 : i32
    %dma_start3A_162 = arith.constant 0 : i32
    %dma_start3A_163 = tpu.memref_slice %arg6[%dma_start3A_152, %dma_start3A_161, %dma_start3A_162] : memref<8x128x64xf32, #tpu.memory_space<vmem>> -> memref<1x128x64xf32, #tpu.memory_space<vmem>>
    %dma_start3A_164 = tpu.memref_squeeze %dma_start3A_163 : memref<1x128x64xf32, #tpu.memory_space<vmem>> -> memref<128x64xf32, #tpu.memory_space<vmem>>
    tpu.enqueue_dma source(%dma_start3A_164 : memref<128x64xf32, #tpu.memory_space<vmem>>) target(%dma_start3A_160 : memref<128x64xf32, #tpu.memory_space<hbm>>) target_semaphore(%arg16 : memref<!tpu.dma_semaphore, #tpu.memory_space<semaphore_mem>>)
    %dma_wait3A_165 = arith.constant 2 : i32
    %dma_wait3A_166 = arith.constant 0 : i32
    %dma_wait3A_167 = arith.constant 0 : i32
    %dma_wait3A_168 = tpu.memref_slice %arg6[%dma_wait3A_165, %dma_wait3A_166, %dma_wait3A_167] : memref<8x128x64xf32, #tpu.memory_space<vmem>> -> memref<1x128x64xf32, #tpu.memory_space<vmem>>
    %dma_wait3A_169 = tpu.memref_squeeze %dma_wait3A_168 : memref<1x128x64xf32, #tpu.memory_space<vmem>> -> memref<128x64xf32, #tpu.memory_space<vmem>>
    %dma_wait3A_170 = arith.constant 0 : i32
    %dma_wait3A_171 = arith.constant 0 : i32
    %dma_wait3A_172 = tpu.memref_slice %arg3[%dma_wait3A_170, %dma_wait3A_171] : memref<1000000x64xf32, #tpu.memory_space<hbm>> -> memref<128x64xf32, #tpu.memory_space<hbm>>
    %dma_wait3A_173 = arith.constant 0 : i32
    %dma_wait3A_174 = arith.constant 0 : i32
    %dma_wait3A_175 = tpu.memref_slice %arg6[%dma_wait3A_165, %dma_wait3A_173, %dma_wait3A_174] : memref<8x128x64xf32, #tpu.memory_space<vmem>> -> memref<1x128x64xf32, #tpu.memory_space<vmem>>
    %dma_wait3A_176 = tpu.memref_squeeze %dma_wait3A_175 : memref<1x128x64xf32, #tpu.memory_space<vmem>> -> memref<128x64xf32, #tpu.memory_space<vmem>>
    %dma_wait3A_177 = arith.constant 0 : i32
    %dma_wait3A_178 = arith.constant 0 : i32
    %dma_wait3A_179 = tpu.memref_slice %arg3[%dma_wait3A_177, %dma_wait3A_178] : memref<1000000x64xf32, #tpu.memory_space<hbm>> -> memref<128x64xf32, #tpu.memory_space<hbm>>
    tpu.wait_dma2 semaphore(%arg9 : memref<!tpu.dma_semaphore, #tpu.memory_space<semaphore_mem>>) src(%dma_wait3A_179 : memref<128x64xf32, #tpu.memory_space<hbm>>) dst(%dma_wait3A_176 : memref<128x64xf32, #tpu.memory_space<vmem>>)
    %add3A_180 = arith.constant 194 : i32
    %add3A_181 = arith.addi %mul3A_2, %add3A_180 : i32
    %mul3A_182 = arith.constant 128 : i32
    %mul3A_183 = arith.muli %add3A_181, %mul3A_182 : i32
    %dma_start3A_184 = arith.constant 2 : i32
    %dma_start3A_185 = arith.constant 0 : i32
    %dma_start3A_186 = arith.constant 0 : i32
    %dma_start3A_187 = tpu.memref_slice %arg6[%dma_start3A_184, %dma_start3A_185, %dma_start3A_186] : memref<8x128x64xf32, #tpu.memory_space<vmem>> -> memref<1x128x64xf32, #tpu.memory_space<vmem>>
    %dma_start3A_188 = tpu.memref_squeeze %dma_start3A_187 : memref<1x128x64xf32, #tpu.memory_space<vmem>> -> memref<128x64xf32, #tpu.memory_space<vmem>>
    %dma_start3A_189 = arith.constant 0 : i32
    %dma_start3A_190 = tpu.memref_slice %arg4[%mul3A_183, %dma_start3A_189] : memref<819200x64xf32, #tpu.memory_space<hbm>> -> memref<128x64xf32, #tpu.memory_space<hbm>>
    %dma_start3A_191 = arith.constant 0 : i32
    %dma_start3A_192 = tpu.memref_slice %arg4[%mul3A_183, %dma_start3A_191] : memref<819200x64xf32, #tpu.memory_space<hbm>> -> memref<128x64xf32, #tpu.memory_space<hbm>>
    %dma_start3A_193 = arith.constant 0 : i32
    %dma_start3A_194 = arith.constant 0 : i32
    %dma_start3A_195 = tpu.memref_slice %arg6[%dma_start3A_184, %dma_start3A_193, %dma_start3A_194] : memref<8x128x64xf32, #tpu.memory_space<vmem>> -> memref<1x128x64xf32, #tpu.memory_space<vmem>>
    %dma_start3A_196 = tpu.memref_squeeze %dma_start3A_195 : memref<1x128x64xf32, #tpu.memory_space<vmem>> -> memref<128x64xf32, #tpu.memory_space<vmem>>
    tpu.enqueue_dma source(%dma_start3A_196 : memref<128x64xf32, #tpu.memory_space<vmem>>) target(%dma_start3A_192 : memref<128x64xf32, #tpu.memory_space<hbm>>) target_semaphore(%arg17 : memref<!tpu.dma_semaphore, #tpu.memory_space<semaphore_mem>>)
    %dma_wait3A_197 = arith.constant 3 : i32
    %dma_wait3A_198 = arith.constant 0 : i32
    %dma_wait3A_199 = arith.constant 0 : i32
    %dma_wait3A_200 = tpu.memref_slice %arg6[%dma_wait3A_197, %dma_wait3A_198, %dma_wait3A_199] : memref<8x128x64xf32, #tpu.memory_space<vmem>> -> memref<1x128x64xf32, #tpu.memory_space<vmem>>
    %dma_wait3A_201 = tpu.memref_squeeze %dma_wait3A_200 : memref<1x128x64xf32, #tpu.memory_space<vmem>> -> memref<128x64xf32, #tpu.memory_space<vmem>>
    %dma_wait3A_202 = arith.constant 0 : i32
    %dma_wait3A_203 = arith.constant 0 : i32
    %dma_wait3A_204 = tpu.memref_slice %arg3[%dma_wait3A_202, %dma_wait3A_203] : memref<1000000x64xf32, #tpu.memory_space<hbm>> -> memref<128x64xf32, #tpu.memory_space<hbm>>
    %dma_wait3A_205 = arith.constant 0 : i32
    %dma_wait3A_206 = arith.constant 0 : i32
    %dma_wait3A_207 = tpu.memref_slice %arg6[%dma_wait3A_197, %dma_wait3A_205, %dma_wait3A_206] : memref<8x128x64xf32, #tpu.memory_space<vmem>> -> memref<1x128x64xf32, #tpu.memory_space<vmem>>
    %dma_wait3A_208 = tpu.memref_squeeze %dma_wait3A_207 : memref<1x128x64xf32, #tpu.memory_space<vmem>> -> memref<128x64xf32, #tpu.memory_space<vmem>>
    %dma_wait3A_209 = arith.constant 0 : i32
    %dma_wait3A_210 = arith.constant 0 : i32
    %dma_wait3A_211 = tpu.memref_slice %arg3[%dma_wait3A_209, %dma_wait3A_210] : memref<1000000x64xf32, #tpu.memory_space<hbm>> -> memref<128x64xf32, #tpu.memory_space<hbm>>
    tpu.wait_dma2 semaphore(%arg10 : memref<!tpu.dma_semaphore, #tpu.memory_space<semaphore_mem>>) src(%dma_wait3A_211 : memref<128x64xf32, #tpu.memory_space<hbm>>) dst(%dma_wait3A_208 : memref<128x64xf32, #tpu.memory_space<vmem>>)
    %add3A_212 = arith.constant 195 : i32
    %add3A_213 = arith.addi %mul3A_2, %add3A_212 : i32
    %mul3A_214 = arith.constant 128 : i32
    %mul3A_215 = arith.muli %add3A_213, %mul3A_214 : i32
    %dma_start3A_216 = arith.constant 3 : i32
    %dma_start3A_217 = arith.constant 0 : i32
    %dma_start3A_218 = arith.constant 0 : i32
    %dma_start3A_219 = tpu.memref_slice %arg6[%dma_start3A_216, %dma_start3A_217, %dma_start3A_218] : memref<8x128x64xf32, #tpu.memory_space<vmem>> -> memref<1x128x64xf32, #tpu.memory_space<vmem>>
    %dma_start3A_220 = tpu.memref_squeeze %dma_start3A_219 : memref<1x128x64xf32, #tpu.memory_space<vmem>> -> memref<128x64xf32, #tpu.memory_space<vmem>>
    %dma_start3A_221 = arith.constant 0 : i32
    %dma_start3A_222 = tpu.memref_slice %arg4[%mul3A_215, %dma_start3A_221] : memref<819200x64xf32, #tpu.memory_space<hbm>> -> memref<128x64xf32, #tpu.memory_space<hbm>>
    %dma_start3A_223 = arith.constant 0 : i32
    %dma_start3A_224 = tpu.memref_slice %arg4[%mul3A_215, %dma_start3A_223] : memref<819200x64xf32, #tpu.memory_space<hbm>> -> memref<128x64xf32, #tpu.memory_space<hbm>>
    %dma_start3A_225 = arith.constant 0 : i32
    %dma_start3A_226 = arith.constant 0 : i32
    %dma_start3A_227 = tpu.memref_slice %arg6[%dma_start3A_216, %dma_start3A_225, %dma_start3A_226] : memref<8x128x64xf32, #tpu.memory_space<vmem>> -> memref<1x128x64xf32, #tpu.memory_space<vmem>>
    %dma_start3A_228 = tpu.memref_squeeze %dma_start3A_227 : memref<1x128x64xf32, #tpu.memory_space<vmem>> -> memref<128x64xf32, #tpu.memory_space<vmem>>
    tpu.enqueue_dma source(%dma_start3A_228 : memref<128x64xf32, #tpu.memory_space<vmem>>) target(%dma_start3A_224 : memref<128x64xf32, #tpu.memory_space<hbm>>) target_semaphore(%arg18 : memref<!tpu.dma_semaphore, #tpu.memory_space<semaphore_mem>>)
    %dma_wait3A_229 = arith.constant 4 : i32
    %dma_wait3A_230 = arith.constant 0 : i32
    %dma_wait3A_231 = arith.constant 0 : i32
    %dma_wait3A_232 = tpu.memref_slice %arg6[%dma_wait3A_229, %dma_wait3A_230, %dma_wait3A_231] : memref<8x128x64xf32, #tpu.memory_space<vmem>> -> memref<1x128x64xf32, #tpu.memory_space<vmem>>
    %dma_wait3A_233 = tpu.memref_squeeze %dma_wait3A_232 : memref<1x128x64xf32, #tpu.memory_space<vmem>> -> memref<128x64xf32, #tpu.memory_space<vmem>>
    %dma_wait3A_234 = arith.constant 0 : i32
    %dma_wait3A_235 = arith.constant 0 : i32
    %dma_wait3A_236 = tpu.memref_slice %arg3[%dma_wait3A_234, %dma_wait3A_235] : memref<1000000x64xf32, #tpu.memory_space<hbm>> -> memref<128x64xf32, #tpu.memory_space<hbm>>
    %dma_wait3A_237 = arith.constant 0 : i32
    %dma_wait3A_238 = arith.constant 0 : i32
    %dma_wait3A_239 = tpu.memref_slice %arg6[%dma_wait3A_229, %dma_wait3A_237, %dma_wait3A_238] : memref<8x128x64xf32, #tpu.memory_space<vmem>> -> memref<1x128x64xf32, #tpu.memory_space<vmem>>
    %dma_wait3A_240 = tpu.memref_squeeze %dma_wait3A_239 : memref<1x128x64xf32, #tpu.memory_space<vmem>> -> memref<128x64xf32, #tpu.memory_space<vmem>>
    %dma_wait3A_241 = arith.constant 0 : i32
    %dma_wait3A_242 = arith.constant 0 : i32
    %dma_wait3A_243 = tpu.memref_slice %arg3[%dma_wait3A_241, %dma_wait3A_242] : memref<1000000x64xf32, #tpu.memory_space<hbm>> -> memref<128x64xf32, #tpu.memory_space<hbm>>
    tpu.wait_dma2 semaphore(%arg11 : memref<!tpu.dma_semaphore, #tpu.memory_space<semaphore_mem>>) src(%dma_wait3A_243 : memref<128x64xf32, #tpu.memory_space<hbm>>) dst(%dma_wait3A_240 : memref<128x64xf32, #tpu.memory_space<vmem>>)
    %add3A_244 = arith.constant 196 : i32
    %add3A_245 = arith.addi %mul3A_2, %add3A_244 : i32
    %mul3A_246 = arith.constant 128 : i32
    %mul3A_247 = arith.muli %add3A_245, %mul3A_246 : i32
    %dma_start3A_248 = arith.constant 4 : i32
    %dma_start3A_249 = arith.constant 0 : i32
    %dma_start3A_250 = arith.constant 0 : i32
    %dma_start3A_251 = tpu.memref_slice %arg6[%dma_start3A_248, %dma_start3A_249, %dma_start3A_250] : memref<8x128x64xf32, #tpu.memory_space<vmem>> -> memref<1x128x64xf32, #tpu.memory_space<vmem>>
    %dma_start3A_252 = tpu.memref_squeeze %dma_start3A_251 : memref<1x128x64xf32, #tpu.memory_space<vmem>> -> memref<128x64xf32, #tpu.memory_space<vmem>>
    %dma_start3A_253 = arith.constant 0 : i32
    %dma_start3A_254 = tpu.memref_slice %arg4[%mul3A_247, %dma_start3A_253] : memref<819200x64xf32, #tpu.memory_space<hbm>> -> memref<128x64xf32, #tpu.memory_space<hbm>>
    %dma_start3A_255 = arith.constant 0 : i32
    %dma_start3A_256 = tpu.memref_slice %arg4[%mul3A_247, %dma_start3A_255] : memref<819200x64xf32, #tpu.memory_space<hbm>> -> memref<128x64xf32, #tpu.memory_space<hbm>>
    %dma_start3A_257 = arith.constant 0 : i32
    %dma_start3A_258 = arith.constant 0 : i32
    %dma_start3A_259 = tpu.memref_slice %arg6[%dma_start3A_248, %dma_start3A_257, %dma_start3A_258] : memref<8x128x64xf32, #tpu.memory_space<vmem>> -> memref<1x128x64xf32, #tpu.memory_space<vmem>>
    %dma_start3A_260 = tpu.memref_squeeze %dma_start3A_259 : memref<1x128x64xf32, #tpu.memory_space<vmem>> -> memref<128x64xf32, #tpu.memory_space<vmem>>
    tpu.enqueue_dma source(%dma_start3A_260 : memref<128x64xf32, #tpu.memory_space<vmem>>) target(%dma_start3A_256 : memref<128x64xf32, #tpu.memory_space<hbm>>) target_semaphore(%arg19 : memref<!tpu.dma_semaphore, #tpu.memory_space<semaphore_mem>>)
    %dma_wait3A_261 = arith.constant 5 : i32
    %dma_wait3A_262 = arith.constant 0 : i32
    %dma_wait3A_263 = arith.constant 0 : i32
    %dma_wait3A_264 = tpu.memref_slice %arg6[%dma_wait3A_261, %dma_wait3A_262, %dma_wait3A_263] : memref<8x128x64xf32, #tpu.memory_space<vmem>> -> memref<1x128x64xf32, #tpu.memory_space<vmem>>
    %dma_wait3A_265 = tpu.memref_squeeze %dma_wait3A_264 : memref<1x128x64xf32, #tpu.memory_space<vmem>> -> memref<128x64xf32, #tpu.memory_space<vmem>>
    %dma_wait3A_266 = arith.constant 0 : i32
    %dma_wait3A_267 = arith.constant 0 : i32
    %dma_wait3A_268 = tpu.memref_slice %arg3[%dma_wait3A_266, %dma_wait3A_267] : memref<1000000x64xf32, #tpu.memory_space<hbm>> -> memref<128x64xf32, #tpu.memory_space<hbm>>
    %dma_wait3A_269 = arith.constant 0 : i32
    %dma_wait3A_270 = arith.constant 0 : i32
    %dma_wait3A_271 = tpu.memref_slice %arg6[%dma_wait3A_261, %dma_wait3A_269, %dma_wait3A_270] : memref<8x128x64xf32, #tpu.memory_space<vmem>> -> memref<1x128x64xf32, #tpu.memory_space<vmem>>
    %dma_wait3A_272 = tpu.memref_squeeze %dma_wait3A_271 : memref<1x128x64xf32, #tpu.memory_space<vmem>> -> memref<128x64xf32, #tpu.memory_space<vmem>>
    %dma_wait3A_273 = arith.constant 0 : i32
    %dma_wait3A_274 = arith.constant 0 : i32
    %dma_wait3A_275 = tpu.memref_slice %arg3[%dma_wait3A_273, %dma_wait3A_274] : memref<1000000x64xf32, #tpu.memory_space<hbm>> -> memref<128x64xf32, #tpu.memory_space<hbm>>
    tpu.wait_dma2 semaphore(%arg12 : memref<!tpu.dma_semaphore, #tpu.memory_space<semaphore_mem>>) src(%dma_wait3A_275 : memref<128x64xf32, #tpu.memory_space<hbm>>) dst(%dma_wait3A_272 : memref<128x64xf32, #tpu.memory_space<vmem>>)
    %add3A_276 = arith.constant 197 : i32
    %add3A_277 = arith.addi %mul3A_2, %add3A_276 : i32
    %mul3A_278 = arith.constant 128 : i32
    %mul3A_279 = arith.muli %add3A_277, %mul3A_278 : i32
    %dma_start3A_280 = arith.constant 5 : i32
    %dma_start3A_281 = arith.constant 0 : i32
    %dma_start3A_282 = arith.constant 0 : i32
    %dma_start3A_283 = tpu.memref_slice %arg6[%dma_start3A_280, %dma_start3A_281, %dma_start3A_282] : memref<8x128x64xf32, #tpu.memory_space<vmem>> -> memref<1x128x64xf32, #tpu.memory_space<vmem>>
    %dma_start3A_284 = tpu.memref_squeeze %dma_start3A_283 : memref<1x128x64xf32, #tpu.memory_space<vmem>> -> memref<128x64xf32, #tpu.memory_space<vmem>>
    %dma_start3A_285 = arith.constant 0 : i32
    %dma_start3A_286 = tpu.memref_slice %arg4[%mul3A_279, %dma_start3A_285] : memref<819200x64xf32, #tpu.memory_space<hbm>> -> memref<128x64xf32, #tpu.memory_space<hbm>>
    %dma_start3A_287 = arith.constant 0 : i32
    %dma_start3A_288 = tpu.memref_slice %arg4[%mul3A_279, %dma_start3A_287] : memref<819200x64xf32, #tpu.memory_space<hbm>> -> memref<128x64xf32, #tpu.memory_space<hbm>>
    %dma_start3A_289 = arith.constant 0 : i32
    %dma_start3A_290 = arith.constant 0 : i32
    %dma_start3A_291 = tpu.memref_slice %arg6[%dma_start3A_280, %dma_start3A_289, %dma_start3A_290] : memref<8x128x64xf32, #tpu.memory_space<vmem>> -> memref<1x128x64xf32, #tpu.memory_space<vmem>>
    %dma_start3A_292 = tpu.memref_squeeze %dma_start3A_291 : memref<1x128x64xf32, #tpu.memory_space<vmem>> -> memref<128x64xf32, #tpu.memory_space<vmem>>
    tpu.enqueue_dma source(%dma_start3A_292 : memref<128x64xf32, #tpu.memory_space<vmem>>) target(%dma_start3A_288 : memref<128x64xf32, #tpu.memory_space<hbm>>) target_semaphore(%arg20 : memref<!tpu.dma_semaphore, #tpu.memory_space<semaphore_mem>>)
    %dma_wait3A_293 = arith.constant 6 : i32
    %dma_wait3A_294 = arith.constant 0 : i32
    %dma_wait3A_295 = arith.constant 0 : i32
    %dma_wait3A_296 = tpu.memref_slice %arg6[%dma_wait3A_293, %dma_wait3A_294, %dma_wait3A_295] : memref<8x128x64xf32, #tpu.memory_space<vmem>> -> memref<1x128x64xf32, #tpu.memory_space<vmem>>
    %dma_wait3A_297 = tpu.memref_squeeze %dma_wait3A_296 : memref<1x128x64xf32, #tpu.memory_space<vmem>> -> memref<128x64xf32, #tpu.memory_space<vmem>>
    %dma_wait3A_298 = arith.constant 0 : i32
    %dma_wait3A_299 = arith.constant 0 : i32
    %dma_wait3A_300 = tpu.memref_slice %arg3[%dma_wait3A_298, %dma_wait3A_299] : memref<1000000x64xf32, #tpu.memory_space<hbm>> -> memref<128x64xf32, #tpu.memory_space<hbm>>
    %dma_wait3A_301 = arith.constant 0 : i32
    %dma_wait3A_302 = arith.constant 0 : i32
    %dma_wait3A_303 = tpu.memref_slice %arg6[%dma_wait3A_293, %dma_wait3A_301, %dma_wait3A_302] : memref<8x128x64xf32, #tpu.memory_space<vmem>> -> memref<1x128x64xf32, #tpu.memory_space<vmem>>
    %dma_wait3A_304 = tpu.memref_squeeze %dma_wait3A_303 : memref<1x128x64xf32, #tpu.memory_space<vmem>> -> memref<128x64xf32, #tpu.memory_space<vmem>>
    %dma_wait3A_305 = arith.constant 0 : i32
    %dma_wait3A_306 = arith.constant 0 : i32
    %dma_wait3A_307 = tpu.memref_slice %arg3[%dma_wait3A_305, %dma_wait3A_306] : memref<1000000x64xf32, #tpu.memory_space<hbm>> -> memref<128x64xf32, #tpu.memory_space<hbm>>
    tpu.wait_dma2 semaphore(%arg13 : memref<!tpu.dma_semaphore, #tpu.memory_space<semaphore_mem>>) src(%dma_wait3A_307 : memref<128x64xf32, #tpu.memory_space<hbm>>) dst(%dma_wait3A_304 : memref<128x64xf32, #tpu.memory_space<vmem>>)
    %add3A_308 = arith.constant 198 : i32
    %add3A_309 = arith.addi %mul3A_2, %add3A_308 : i32
    %mul3A_310 = arith.constant 128 : i32
    %mul3A_311 = arith.muli %add3A_309, %mul3A_310 : i32
    %dma_start3A_312 = arith.constant 6 : i32
    %dma_start3A_313 = arith.constant 0 : i32
    %dma_start3A_314 = arith.constant 0 : i32
    %dma_start3A_315 = tpu.memref_slice %arg6[%dma_start3A_312, %dma_start3A_313, %dma_start3A_314] : memref<8x128x64xf32, #tpu.memory_space<vmem>> -> memref<1x128x64xf32, #tpu.memory_space<vmem>>
    %dma_start3A_316 = tpu.memref_squeeze %dma_start3A_315 : memref<1x128x64xf32, #tpu.memory_space<vmem>> -> memref<128x64xf32, #tpu.memory_space<vmem>>
    %dma_start3A_317 = arith.constant 0 : i32
    %dma_start3A_318 = tpu.memref_slice %arg4[%mul3A_311, %dma_start3A_317] : memref<819200x64xf32, #tpu.memory_space<hbm>> -> memref<128x64xf32, #tpu.memory_space<hbm>>
    %dma_start3A_319 = arith.constant 0 : i32
    %dma_start3A_320 = tpu.memref_slice %arg4[%mul3A_311, %dma_start3A_319] : memref<819200x64xf32, #tpu.memory_space<hbm>> -> memref<128x64xf32, #tpu.memory_space<hbm>>
    %dma_start3A_321 = arith.constant 0 : i32
    %dma_start3A_322 = arith.constant 0 : i32
    %dma_start3A_323 = tpu.memref_slice %arg6[%dma_start3A_312, %dma_start3A_321, %dma_start3A_322] : memref<8x128x64xf32, #tpu.memory_space<vmem>> -> memref<1x128x64xf32, #tpu.memory_space<vmem>>
    %dma_start3A_324 = tpu.memref_squeeze %dma_start3A_323 : memref<1x128x64xf32, #tpu.memory_space<vmem>> -> memref<128x64xf32, #tpu.memory_space<vmem>>
    tpu.enqueue_dma source(%dma_start3A_324 : memref<128x64xf32, #tpu.memory_space<vmem>>) target(%dma_start3A_320 : memref<128x64xf32, #tpu.memory_space<hbm>>) target_semaphore(%arg21 : memref<!tpu.dma_semaphore, #tpu.memory_space<semaphore_mem>>)
    %dma_wait3A_325 = arith.constant 7 : i32
    %dma_wait3A_326 = arith.constant 0 : i32
    %dma_wait3A_327 = arith.constant 0 : i32
    %dma_wait3A_328 = tpu.memref_slice %arg6[%dma_wait3A_325, %dma_wait3A_326, %dma_wait3A_327] : memref<8x128x64xf32, #tpu.memory_space<vmem>> -> memref<1x128x64xf32, #tpu.memory_space<vmem>>
    %dma_wait3A_329 = tpu.memref_squeeze %dma_wait3A_328 : memref<1x128x64xf32, #tpu.memory_space<vmem>> -> memref<128x64xf32, #tpu.memory_space<vmem>>
    %dma_wait3A_330 = arith.constant 0 : i32
    %dma_wait3A_331 = arith.constant 0 : i32
    %dma_wait3A_332 = tpu.memref_slice %arg3[%dma_wait3A_330, %dma_wait3A_331] : memref<1000000x64xf32, #tpu.memory_space<hbm>> -> memref<128x64xf32, #tpu.memory_space<hbm>>
    %dma_wait3A_333 = arith.constant 0 : i32
    %dma_wait3A_334 = arith.constant 0 : i32
    %dma_wait3A_335 = tpu.memref_slice %arg6[%dma_wait3A_325, %dma_wait3A_333, %dma_wait3A_334] : memref<8x128x64xf32, #tpu.memory_space<vmem>> -> memref<1x128x64xf32, #tpu.memory_space<vmem>>
    %dma_wait3A_336 = tpu.memref_squeeze %dma_wait3A_335 : memref<1x128x64xf32, #tpu.memory_space<vmem>> -> memref<128x64xf32, #tpu.memory_space<vmem>>
    %dma_wait3A_337 = arith.constant 0 : i32
    %dma_wait3A_338 = arith.constant 0 : i32
    %dma_wait3A_339 = tpu.memref_slice %arg3[%dma_wait3A_337, %dma_wait3A_338] : memref<1000000x64xf32, #tpu.memory_space<hbm>> -> memref<128x64xf32, #tpu.memory_space<hbm>>
    tpu.wait_dma2 semaphore(%arg14 : memref<!tpu.dma_semaphore, #tpu.memory_space<semaphore_mem>>) src(%dma_wait3A_339 : memref<128x64xf32, #tpu.memory_space<hbm>>) dst(%dma_wait3A_336 : memref<128x64xf32, #tpu.memory_space<vmem>>)
    %add3A_340 = arith.constant 199 : i32
    %add3A_341 = arith.addi %mul3A_2, %add3A_340 : i32
    %mul3A_342 = arith.constant 128 : i32
    %mul3A_343 = arith.muli %add3A_341, %mul3A_342 : i32
    %dma_start3A_344 = arith.constant 7 : i32
    %dma_start3A_345 = arith.constant 0 : i32
    %dma_start3A_346 = arith.constant 0 : i32
    %dma_start3A_347 = tpu.memref_slice %arg6[%dma_start3A_344, %dma_start3A_345, %dma_start3A_346] : memref<8x128x64xf32, #tpu.memory_space<vmem>> -> memref<1x128x64xf32, #tpu.memory_space<vmem>>
    %dma_start3A_348 = tpu.memref_squeeze %dma_start3A_347 : memref<1x128x64xf32, #tpu.memory_space<vmem>> -> memref<128x64xf32, #tpu.memory_space<vmem>>
    %dma_start3A_349 = arith.constant 0 : i32
    %dma_start3A_350 = tpu.memref_slice %arg4[%mul3A_343, %dma_start3A_349] : memref<819200x64xf32, #tpu.memory_space<hbm>> -> memref<128x64xf32, #tpu.memory_space<hbm>>
    %dma_start3A_351 = arith.constant 0 : i32
    %dma_start3A_352 = tpu.memref_slice %arg4[%mul3A_343, %dma_start3A_351] : memref<819200x64xf32, #tpu.memory_space<hbm>> -> memref<128x64xf32, #tpu.memory_space<hbm>>
    %dma_start3A_353 = arith.constant 0 : i32
    %dma_start3A_354 = arith.constant 0 : i32
    %dma_start3A_355 = tpu.memref_slice %arg6[%dma_start3A_344, %dma_start3A_353, %dma_start3A_354] : memref<8x128x64xf32, #tpu.memory_space<vmem>> -> memref<1x128x64xf32, #tpu.memory_space<vmem>>
    %dma_start3A_356 = tpu.memref_squeeze %dma_start3A_355 : memref<1x128x64xf32, #tpu.memory_space<vmem>> -> memref<128x64xf32, #tpu.memory_space<vmem>>
    tpu.enqueue_dma source(%dma_start3A_356 : memref<128x64xf32, #tpu.memory_space<vmem>>) target(%dma_start3A_352 : memref<128x64xf32, #tpu.memory_space<hbm>>) target_semaphore(%arg22 : memref<!tpu.dma_semaphore, #tpu.memory_space<semaphore_mem>>)
    %dma_wait3A_357 = arith.constant 0 : i32
    %dma_wait3A_358 = arith.constant 0 : i32
    %dma_wait3A_359 = arith.constant 0 : i32
    %dma_wait3A_360 = tpu.memref_slice %arg6[%dma_wait3A_357, %dma_wait3A_358, %dma_wait3A_359] : memref<8x128x64xf32, #tpu.memory_space<vmem>> -> memref<1x128x64xf32, #tpu.memory_space<vmem>>
    %dma_wait3A_361 = tpu.memref_squeeze %dma_wait3A_360 : memref<1x128x64xf32, #tpu.memory_space<vmem>> -> memref<128x64xf32, #tpu.memory_space<vmem>>
    %dma_wait3A_362 = arith.constant 0 : i32
    %dma_wait3A_363 = arith.constant 0 : i32
    %dma_wait3A_364 = tpu.memref_slice %arg4[%dma_wait3A_362, %dma_wait3A_363] : memref<819200x64xf32, #tpu.memory_space<hbm>> -> memref<128x64xf32, #tpu.memory_space<hbm>>
    %dma_wait3A_365 = arith.constant 0 : i32
    %dma_wait3A_366 = arith.constant 0 : i32
    %dma_wait3A_367 = tpu.memref_slice %arg4[%dma_wait3A_365, %dma_wait3A_366] : memref<819200x64xf32, #tpu.memory_space<hbm>> -> memref<128x64xf32, #tpu.memory_space<hbm>>
    %dma_wait3A_368 = arith.constant 0 : i32
    %dma_wait3A_369 = arith.constant 0 : i32
    %dma_wait3A_370 = tpu.memref_slice %arg6[%dma_wait3A_357, %dma_wait3A_368, %dma_wait3A_369] : memref<8x128x64xf32, #tpu.memory_space<vmem>> -> memref<1x128x64xf32, #tpu.memory_space<vmem>>
    %dma_wait3A_371 = tpu.memref_squeeze %dma_wait3A_370 : memref<1x128x64xf32, #tpu.memory_space<vmem>> -> memref<128x64xf32, #tpu.memory_space<vmem>>
    tpu.wait_dma2 semaphore(%arg15 : memref<!tpu.dma_semaphore, #tpu.memory_space<semaphore_mem>>) src(%dma_wait3A_371 : memref<128x64xf32, #tpu.memory_space<vmem>>) dst(%dma_wait3A_367 : memref<128x64xf32, #tpu.memory_space<hbm>>)
    %dma_wait3A_372 = arith.constant 1 : i32
    %dma_wait3A_373 = arith.constant 0 : i32
    %dma_wait3A_374 = arith.constant 0 : i32
    %dma_wait3A_375 = tpu.memref_slice %arg6[%dma_wait3A_372, %dma_wait3A_373, %dma_wait3A_374] : memref<8x128x64xf32, #tpu.memory_space<vmem>> -> memref<1x128x64xf32, #tpu.memory_space<vmem>>
    %dma_wait3A_376 = tpu.memref_squeeze %dma_wait3A_375 : memref<1x128x64xf32, #tpu.memory_space<vmem>> -> memref<128x64xf32, #tpu.memory_space<vmem>>
    %dma_wait3A_377 = arith.constant 0 : i32
    %dma_wait3A_378 = arith.constant 0 : i32
    %dma_wait3A_379 = tpu.memref_slice %arg4[%dma_wait3A_377, %dma_wait3A_378] : memref<819200x64xf32, #tpu.memory_space<hbm>> -> memref<128x64xf32, #tpu.memory_space<hbm>>
    %dma_wait3A_380 = arith.constant 0 : i32
    %dma_wait3A_381 = arith.constant 0 : i32
    %dma_wait3A_382 = tpu.memref_slice %arg4[%dma_wait3A_380, %dma_wait3A_381] : memref<819200x64xf32, #tpu.memory_space<hbm>> -> memref<128x64xf32, #tpu.memory_space<hbm>>
    %dma_wait3A_383 = arith.constant 0 : i32
    %dma_wait3A_384 = arith.constant 0 : i32
    %dma_wait3A_385 = tpu.memref_slice %arg6[%dma_wait3A_372, %dma_wait3A_383, %dma_wait3A_384] : memref<8x128x64xf32, #tpu.memory_space<vmem>> -> memref<1x128x64xf32, #tpu.memory_space<vmem>>
    %dma_wait3A_386 = tpu.memref_squeeze %dma_wait3A_385 : memref<1x128x64xf32, #tpu.memory_space<vmem>> -> memref<128x64xf32, #tpu.memory_space<vmem>>
    tpu.wait_dma2 semaphore(%arg16 : memref<!tpu.dma_semaphore, #tpu.memory_space<semaphore_mem>>) src(%dma_wait3A_386 : memref<128x64xf32, #tpu.memory_space<vmem>>) dst(%dma_wait3A_382 : memref<128x64xf32, #tpu.memory_space<hbm>>)
    %dma_wait3A_387 = arith.constant 2 : i32
    %dma_wait3A_388 = arith.constant 0 : i32
    %dma_wait3A_389 = arith.constant 0 : i32
    %dma_wait3A_390 = tpu.memref_slice %arg6[%dma_wait3A_387, %dma_wait3A_388, %dma_wait3A_389] : memref<8x128x64xf32, #tpu.memory_space<vmem>> -> memref<1x128x64xf32, #tpu.memory_space<vmem>>
    %dma_wait3A_391 = tpu.memref_squeeze %dma_wait3A_390 : memref<1x128x64xf32, #tpu.memory_space<vmem>> -> memref<128x64xf32, #tpu.memory_space<vmem>>
    %dma_wait3A_392 = arith.constant 0 : i32
    %dma_wait3A_393 = arith.constant 0 : i32
    %dma_wait3A_394 = tpu.memref_slice %arg4[%dma_wait3A_392, %dma_wait3A_393] : memref<819200x64xf32, #tpu.memory_space<hbm>> -> memref<128x64xf32, #tpu.memory_space<hbm>>
    %dma_wait3A_395 = arith.constant 0 : i32
    %dma_wait3A_396 = arith.constant 0 : i32
    %dma_wait3A_397 = tpu.memref_slice %arg4[%dma_wait3A_395, %dma_wait3A_396] : memref<819200x64xf32, #tpu.memory_space<hbm>> -> memref<128x64xf32, #tpu.memory_space<hbm>>
    %dma_wait3A_398 = arith.constant 0 : i32
    %dma_wait3A_399 = arith.constant 0 : i32
    %dma_wait3A_400 = tpu.memref_slice %arg6[%dma_wait3A_387, %dma_wait3A_398, %dma_wait3A_399] : memref<8x128x64xf32, #tpu.memory_space<vmem>> -> memref<1x128x64xf32, #tpu.memory_space<vmem>>
    %dma_wait3A_401 = tpu.memref_squeeze %dma_wait3A_400 : memref<1x128x64xf32, #tpu.memory_space<vmem>> -> memref<128x64xf32, #tpu.memory_space<vmem>>
    tpu.wait_dma2 semaphore(%arg17 : memref<!tpu.dma_semaphore, #tpu.memory_space<semaphore_mem>>) src(%dma_wait3A_401 : memref<128x64xf32, #tpu.memory_space<vmem>>) dst(%dma_wait3A_397 : memref<128x64xf32, #tpu.memory_space<hbm>>)
    %dma_wait3A_402 = arith.constant 3 : i32
    %dma_wait3A_403 = arith.constant 0 : i32
    %dma_wait3A_404 = arith.constant 0 : i32
    %dma_wait3A_405 = tpu.memref_slice %arg6[%dma_wait3A_402, %dma_wait3A_403, %dma_wait3A_404] : memref<8x128x64xf32, #tpu.memory_space<vmem>> -> memref<1x128x64xf32, #tpu.memory_space<vmem>>
    %dma_wait3A_406 = tpu.memref_squeeze %dma_wait3A_405 : memref<1x128x64xf32, #tpu.memory_space<vmem>> -> memref<128x64xf32, #tpu.memory_space<vmem>>
    %dma_wait3A_407 = arith.constant 0 : i32
    %dma_wait3A_408 = arith.constant 0 : i32
    %dma_wait3A_409 = tpu.memref_slice %arg4[%dma_wait3A_407, %dma_wait3A_408] : memref<819200x64xf32, #tpu.memory_space<hbm>> -> memref<128x64xf32, #tpu.memory_space<hbm>>
    %dma_wait3A_410 = arith.constant 0 : i32
    %dma_wait3A_411 = arith.constant 0 : i32
    %dma_wait3A_412 = tpu.memref_slice %arg4[%dma_wait3A_410, %dma_wait3A_411] : memref<819200x64xf32, #tpu.memory_space<hbm>> -> memref<128x64xf32, #tpu.memory_space<hbm>>
    %dma_wait3A_413 = arith.constant 0 : i32
    %dma_wait3A_414 = arith.constant 0 : i32
    %dma_wait3A_415 = tpu.memref_slice %arg6[%dma_wait3A_402, %dma_wait3A_413, %dma_wait3A_414] : memref<8x128x64xf32, #tpu.memory_space<vmem>> -> memref<1x128x64xf32, #tpu.memory_space<vmem>>
    %dma_wait3A_416 = tpu.memref_squeeze %dma_wait3A_415 : memref<1x128x64xf32, #tpu.memory_space<vmem>> -> memref<128x64xf32, #tpu.memory_space<vmem>>
    tpu.wait_dma2 semaphore(%arg18 : memref<!tpu.dma_semaphore, #tpu.memory_space<semaphore_mem>>) src(%dma_wait3A_416 : memref<128x64xf32, #tpu.memory_space<vmem>>) dst(%dma_wait3A_412 : memref<128x64xf32, #tpu.memory_space<hbm>>)
    %dma_wait3A_417 = arith.constant 4 : i32
    %dma_wait3A_418 = arith.constant 0 : i32
    %dma_wait3A_419 = arith.constant 0 : i32
    %dma_wait3A_420 = tpu.memref_slice %arg6[%dma_wait3A_417, %dma_wait3A_418, %dma_wait3A_419] : memref<8x128x64xf32, #tpu.memory_space<vmem>> -> memref<1x128x64xf32, #tpu.memory_space<vmem>>
    %dma_wait3A_421 = tpu.memref_squeeze %dma_wait3A_420 : memref<1x128x64xf32, #tpu.memory_space<vmem>> -> memref<128x64xf32, #tpu.memory_space<vmem>>
    %dma_wait3A_422 = arith.constant 0 : i32
    %dma_wait3A_423 = arith.constant 0 : i32
    %dma_wait3A_424 = tpu.memref_slice %arg4[%dma_wait3A_422, %dma_wait3A_423] : memref<819200x64xf32, #tpu.memory_space<hbm>> -> memref<128x64xf32, #tpu.memory_space<hbm>>
    %dma_wait3A_425 = arith.constant 0 : i32
    %dma_wait3A_426 = arith.constant 0 : i32
    %dma_wait3A_427 = tpu.memref_slice %arg4[%dma_wait3A_425, %dma_wait3A_426] : memref<819200x64xf32, #tpu.memory_space<hbm>> -> memref<128x64xf32, #tpu.memory_space<hbm>>
    %dma_wait3A_428 = arith.constant 0 : i32
    %dma_wait3A_429 = arith.constant 0 : i32
    %dma_wait3A_430 = tpu.memref_slice %arg6[%dma_wait3A_417, %dma_wait3A_428, %dma_wait3A_429] : memref<8x128x64xf32, #tpu.memory_space<vmem>> -> memref<1x128x64xf32, #tpu.memory_space<vmem>>
    %dma_wait3A_431 = tpu.memref_squeeze %dma_wait3A_430 : memref<1x128x64xf32, #tpu.memory_space<vmem>> -> memref<128x64xf32, #tpu.memory_space<vmem>>
    tpu.wait_dma2 semaphore(%arg19 : memref<!tpu.dma_semaphore, #tpu.memory_space<semaphore_mem>>) src(%dma_wait3A_431 : memref<128x64xf32, #tpu.memory_space<vmem>>) dst(%dma_wait3A_427 : memref<128x64xf32, #tpu.memory_space<hbm>>)
    %dma_wait3A_432 = arith.constant 5 : i32
    %dma_wait3A_433 = arith.constant 0 : i32
    %dma_wait3A_434 = arith.constant 0 : i32
    %dma_wait3A_435 = tpu.memref_slice %arg6[%dma_wait3A_432, %dma_wait3A_433, %dma_wait3A_434] : memref<8x128x64xf32, #tpu.memory_space<vmem>> -> memref<1x128x64xf32, #tpu.memory_space<vmem>>
    %dma_wait3A_436 = tpu.memref_squeeze %dma_wait3A_435 : memref<1x128x64xf32, #tpu.memory_space<vmem>> -> memref<128x64xf32, #tpu.memory_space<vmem>>
    %dma_wait3A_437 = arith.constant 0 : i32
    %dma_wait3A_438 = arith.constant 0 : i32
    %dma_wait3A_439 = tpu.memref_slice %arg4[%dma_wait3A_437, %dma_wait3A_438] : memref<819200x64xf32, #tpu.memory_space<hbm>> -> memref<128x64xf32, #tpu.memory_space<hbm>>
    %dma_wait3A_440 = arith.constant 0 : i32
    %dma_wait3A_441 = arith.constant 0 : i32
    %dma_wait3A_442 = tpu.memref_slice %arg4[%dma_wait3A_440, %dma_wait3A_441] : memref<819200x64xf32, #tpu.memory_space<hbm>> -> memref<128x64xf32, #tpu.memory_space<hbm>>
    %dma_wait3A_443 = arith.constant 0 : i32
    %dma_wait3A_444 = arith.constant 0 : i32
    %dma_wait3A_445 = tpu.memref_slice %arg6[%dma_wait3A_432, %dma_wait3A_443, %dma_wait3A_444] : memref<8x128x64xf32, #tpu.memory_space<vmem>> -> memref<1x128x64xf32, #tpu.memory_space<vmem>>
    %dma_wait3A_446 = tpu.memref_squeeze %dma_wait3A_445 : memref<1x128x64xf32, #tpu.memory_space<vmem>> -> memref<128x64xf32, #tpu.memory_space<vmem>>
    tpu.wait_dma2 semaphore(%arg20 : memref<!tpu.dma_semaphore, #tpu.memory_space<semaphore_mem>>) src(%dma_wait3A_446 : memref<128x64xf32, #tpu.memory_space<vmem>>) dst(%dma_wait3A_442 : memref<128x64xf32, #tpu.memory_space<hbm>>)
    %dma_wait3A_447 = arith.constant 6 : i32
    %dma_wait3A_448 = arith.constant 0 : i32
    %dma_wait3A_449 = arith.constant 0 : i32
    %dma_wait3A_450 = tpu.memref_slice %arg6[%dma_wait3A_447, %dma_wait3A_448, %dma_wait3A_449] : memref<8x128x64xf32, #tpu.memory_space<vmem>> -> memref<1x128x64xf32, #tpu.memory_space<vmem>>
    %dma_wait3A_451 = tpu.memref_squeeze %dma_wait3A_450 : memref<1x128x64xf32, #tpu.memory_space<vmem>> -> memref<128x64xf32, #tpu.memory_space<vmem>>
    %dma_wait3A_452 = arith.constant 0 : i32
    %dma_wait3A_453 = arith.constant 0 : i32
    %dma_wait3A_454 = tpu.memref_slice %arg4[%dma_wait3A_452, %dma_wait3A_453] : memref<819200x64xf32, #tpu.memory_space<hbm>> -> memref<128x64xf32, #tpu.memory_space<hbm>>
    %dma_wait3A_455 = arith.constant 0 : i32
    %dma_wait3A_456 = arith.constant 0 : i32
    %dma_wait3A_457 = tpu.memref_slice %arg4[%dma_wait3A_455, %dma_wait3A_456] : memref<819200x64xf32, #tpu.memory_space<hbm>> -> memref<128x64xf32, #tpu.memory_space<hbm>>
    %dma_wait3A_458 = arith.constant 0 : i32
    %dma_wait3A_459 = arith.constant 0 : i32
    %dma_wait3A_460 = tpu.memref_slice %arg6[%dma_wait3A_447, %dma_wait3A_458, %dma_wait3A_459] : memref<8x128x64xf32, #tpu.memory_space<vmem>> -> memref<1x128x64xf32, #tpu.memory_space<vmem>>
    %dma_wait3A_461 = tpu.memref_squeeze %dma_wait3A_460 : memref<1x128x64xf32, #tpu.memory_space<vmem>> -> memref<128x64xf32, #tpu.memory_space<vmem>>
    tpu.wait_dma2 semaphore(%arg21 : memref<!tpu.dma_semaphore, #tpu.memory_space<semaphore_mem>>) src(%dma_wait3A_461 : memref<128x64xf32, #tpu.memory_space<vmem>>) dst(%dma_wait3A_457 : memref<128x64xf32, #tpu.memory_space<hbm>>)
    %dma_wait3A_462 = arith.constant 7 : i32
    %dma_wait3A_463 = arith.constant 0 : i32
    %dma_wait3A_464 = arith.constant 0 : i32
    %dma_wait3A_465 = tpu.memref_slice %arg6[%dma_wait3A_462, %dma_wait3A_463, %dma_wait3A_464] : memref<8x128x64xf32, #tpu.memory_space<vmem>> -> memref<1x128x64xf32, #tpu.memory_space<vmem>>
    %dma_wait3A_466 = tpu.memref_squeeze %dma_wait3A_465 : memref<1x128x64xf32, #tpu.memory_space<vmem>> -> memref<128x64xf32, #tpu.memory_space<vmem>>
    %dma_wait3A_467 = arith.constant 0 : i32
    %dma_wait3A_468 = arith.constant 0 : i32
    %dma_wait3A_469 = tpu.memref_slice %arg4[%dma_wait3A_467, %dma_wait3A_468] : memref<819200x64xf32, #tpu.memory_space<hbm>> -> memref<128x64xf32, #tpu.memory_space<hbm>>
    %dma_wait3A_470 = arith.constant 0 : i32
    %dma_wait3A_471 = arith.constant 0 : i32
    %dma_wait3A_472 = tpu.memref_slice %arg4[%dma_wait3A_470, %dma_wait3A_471] : memref<819200x64xf32, #tpu.memory_space<hbm>> -> memref<128x64xf32, #tpu.memory_space<hbm>>
    %dma_wait3A_473 = arith.constant 0 : i32
    %dma_wait3A_474 = arith.constant 0 : i32
    %dma_wait3A_475 = tpu.memref_slice %arg6[%dma_wait3A_462, %dma_wait3A_473, %dma_wait3A_474] : memref<8x128x64xf32, #tpu.memory_space<vmem>> -> memref<1x128x64xf32, #tpu.memory_space<vmem>>
    %dma_wait3A_476 = tpu.memref_squeeze %dma_wait3A_475 : memref<1x128x64xf32, #tpu.memory_space<vmem>> -> memref<128x64xf32, #tpu.memory_space<vmem>>
    tpu.wait_dma2 semaphore(%arg22 : memref<!tpu.dma_semaphore, #tpu.memory_space<semaphore_mem>>) src(%dma_wait3A_476 : memref<128x64xf32, #tpu.memory_space<vmem>>) dst(%dma_wait3A_472 : memref<128x64xf32, #tpu.memory_space<hbm>>)
    return
  }
}

</mosaic_0001>

<sc_bundles>
// kernel: kernel.3.cloned.1.call-start
scs
__scs_entry_jumppad:
0x0: {  	(pc) =	sbr.rel $0x88, $3  }
0x1: {  	(tag) =	ssettag $0x0;
	lr =	simm.s32 $0x1  }
0x2: {  	[smem:$0x3F9F] =	sst lr;
	_ =	strace $0xD0000000  }
0x3: {  	_ = 	snop  }
0x4: {  	_ = 	snop  }
0x5: {  	_ = 	snop  }
0x6: {  	_ = 	snop  }
0x7: {  	_ = 	snop  }
__scs_overlays_trampoline_lowered:
0x8: {  	[smem:$0x3FAE] =	sst s0  }
0x9: {  	[smem:$0x3FAF] =	sst s1  }
0xa: {  	[smem:$0x3FB0] =	sst s2  }
0xb: {  	[smem:$0x3FB1] =	sst s3  }
0xc: {  	[smem:$0x3FB2] =	sst s4  }
0xd: {  	[smem:$0x3FB3] =	sst s5  }
0xe: {  	[smem:$0x3FB4] =	sst s6  }
0xf: {  	[smem:$0x3FB5] =	sst s7  }
0x10: {  	[smem:$0x3FB6] =	sst s8  }
0x11: {  	[smem:$0x3FB7] =	sst s9;
	s0 =	simm.s32 @!p0 $0x0  }
0x12: {  	s1 =	sld [smem:$0x3F9D];
	s0 =	simm.s32 @p0 $0x1  }
0x13: {  	[smem:$0x3FB8] =	sst s0;
	s0 =	simm.s32 @!p1 $0x0  }
0x14: {  	s2 =	sld [smem:$0x3F9C];
	s0 =	simm.s32 @p1 $0x1  }
0x15: {  	[smem:$0x3FB9] =	sst s0;
	s0 =	simm.s32 @!p2 $0x0  }
0x16: {  	s3 =	sld [smem:$0x3FDB];
	s0 =	simm.s32 @p2 $0x1  }
0x17: {  	s4 =	simm.s32 $0x1BF5;
	[smem:$0x3FBB] =	sst s0  }
0x18: {  	s0 =	sld [smem:$0x3F9E];
	_ =	swait.ge [sflag:s4], $0x0  }
0x19: {  	s7 =	sld [smem:$0x3F9F]  }
0x1a: {  	s8 =	sadd.s32 $0xFFFFE003, lr  }
0x1b: {  	s9 =	sadd.s32 $0xFFFFFEF7, lr;
	s5 =	simm.s32 $0xFFFFFFFF;
	p2 =	slt.u32 s8, $0xFFFFF086  }
0x1c: {  	p1 =	slt.u32 s9, $0xF7A;
	s5 =	simm.s32 @!p2 $0x0  }
0x1d: {  	s5 =	simm.s32 @p1 $0x1;
	p0 =	seq.s32 s7, s2  }
0x1e: {  	s7 =	smul.u32 @!p0 $0xF7A, s2;
	p2 =	seq.s32 @!p0 s5, $0x0  }
0x1f: {  	s9 =	smul.u32 $0xF7A, s1;
	s8 =	simm.s32 @!p0 $0x1BF5;
	p2 =	por !p2, p0  }
0x20: {  	[sflag:s8] =	ssyncset.s32 @!p0 $0xFFFFF086;
	s6 =	sadd.s32 @!p0 s3, s7;
	s7 =	simm.s32 @!p0 $0x108  }
0x21: {  	s3 =	sadd.s32 s3, s9;
	s6 =	sadd.s32 @!p0 $0x88, s6;
	s7 =	simm.s32 @p2 $0x1082  }
0x22: {  	[simem:s7], [sflag:s8] =	dma.local @!p0 [hbm:s6], $0xF7A  }
0x23: {  	s9 =	sor.u32 $0xD0000000, s2;
	s6 =	simm.s32 $0x108;
	_ =	swait.ge @!p0 [sflag:s8], $0x0  }
0x24: {  	s3 =	sadd.s32 $0x88, s3;
	s6 =	simm.s32 @!p1 $0x1082;
	[sflag:s4] =	ssyncset.s32 $0xFFFFF086  }
0x25: {  	[simem:s6], [sflag:s4] =	dma.local [hbm:s3], $0xF7A  }
0x26: {  	[smem:$0x3F9F] =	sst s1;
	(tag) =	ssettag s2;
	_ =	strace s9  }
0x27: {  	s1 =	sld [smem:$0x3FAF]  }
0x28: {  	s2 =	sld [smem:$0x3FB0]  }
0x29: {  	s4 =	sld [smem:$0x3FB2]  }
0x2a: {  	p0 =	seq.s32 s5, $0x0;
	s5 =	sld [smem:$0x3FB3]  }
0x2b: {  	s6 =	sld [smem:$0x3FB4]  }
0x2c: {  	s7 =	sld [smem:$0x3FB5]  }
0x2d: {  	s3 =	simm.s32 $0x108;
	s8 =	sld [smem:$0x3FB6]  }
0x2e: {  	s3 =	simm.s32 @!p0 $0x1082;
	s9 =	sld [smem:$0x3FB7]  }
0x2f: {  	lr =	sadd.s32 s0, s3;
	s0 =	sld [smem:$0x3FAE]  }
0x30: {  	s3 =	sld [smem:$0x3FB1]  }
0x31: {  	[smem:$0x3FBA] =	sst s10  }
0x32: {  	s10 =	sld [smem:$0x3FB8];
	_ =	sdelay $0x3  }
0x33: {  	p0 =	seq.s32 s10, $0x1;
	s10 =	sld [smem:$0x3FBA];
	_ =	sdelay $0x3  }
0x34: {  	[smem:$0x3FBA] =	sst s10  }
0x35: {  	s10 =	sld [smem:$0x3FB9];
	_ =	sdelay $0x3  }
0x36: {  	p1 =	seq.s32 s10, $0x1;
	s10 =	sld [smem:$0x3FBA];
	_ =	sdelay $0x3  }
0x37: {  	[smem:$0x3FBA] =	sst s10  }
0x38: {  	s10 =	sld [smem:$0x3FBB]  }
0x39: {  	_ = 	snop;
	(pc) =	sbr.ind lr, $3  }
0x3a: {  	_ = 	snop  }
0x3b: {  	_ = 	snop  }
0x3c: {  	p2 =	seq.s32 s10, $0x1;
	s10 =	sld [smem:$0x3FBA]  }
0x3d: {  	_ =	shalt  }
0x3e: {  	_ =	shalt  }
0x3f: {  	_ =	shalt  }
0x40: {  	_ =	shalt  }
0x41: {  	_ =	shalt  }
0x42: {  	_ =	shalt  }
0x43: {  	_ =	shalt  }
0x44: {  	_ =	shalt  }
0x45: {  	_ =	shalt  }
0x46: {  	_ =	shalt  }
0x47: {  	_ =	shalt  }
0x48: {  	_ =	shalt  }
0x49: {  	_ =	shalt  }
0x4a: {  	_ =	shalt  }
0x4b: {  	_ =	shalt  }
0x4c: {  	_ =	shalt  }
0x4d: {  	_ =	shalt  }
0x4e: {  	_ =	shalt  }
0x4f: {  	_ =	shalt  }
0x50: {  	_ =	shalt  }
0x51: {  	_ =	shalt  }
0x52: {  	_ =	shalt  }
0x53: {  	_ =	shalt  }
0x54: {  	_ =	shalt  }
0x55: {  	_ =	shalt  }
0x56: {  	_ =	shalt  }
0x57: {  	_ =	shalt  }
0x58: {  	_ =	shalt  }
0x59: {  	_ =	shalt  }
0x5a: {  	_ =	shalt  }
0x5b: {  	_ =	shalt  }
0x5c: {  	_ =	shalt  }
0x5d: {  	_ =	shalt  }
0x5e: {  	_ =	shalt  }
0x5f: {  	_ =	shalt  }
0x60: {  	_ =	shalt  }
0x61: {  	_ =	shalt  }
0x62: {  	_ =	shalt  }
0x63: {  	_ =	shalt  }
0x64: {  	_ =	shalt  }
0x65: {  	_ =	shalt  }
0x66: {  	_ =	shalt  }
0x67: {  	_ =	shalt  }
0x68: {  	_ =	shalt  }
0x69: {  	_ =	shalt  }
0x6a: {  	_ =	shalt  }
0x6b: {  	_ =	shalt  }
0x6c: {  	_ =	shalt  }
0x6d: {  	_ =	shalt  }
0x6e: {  	_ =	shalt  }
0x6f: {  	_ =	shalt  }
0x70: {  	_ =	shalt  }
0x71: {  	_ =	shalt  }
0x72: {  	_ =	shalt  }
0x73: {  	_ =	shalt  }
0x74: {  	_ =	shalt  }
0x75: {  	_ =	shalt  }
0x76: {  	_ =	shalt  }
0x77: {  	_ =	shalt  }
0x78: {  	_ =	shalt  }
0x79: {  	_ =	shalt  }
0x7a: {  	_ =	shalt  }
0x7b: {  	_ =	shalt  }
0x7c: {  	_ =	shalt  }
0x7d: {  	_ =	shalt  }
0x7e: {  	_ =	shalt  }
0x7f: {  	_ =	shalt  }
0x80: {  	_ =	shalt  }
0x81: {  	_ =	shalt  }
0x82: {  	_ =	shalt  }
0x83: {  	_ =	shalt  }
0x84: {  	_ =	shalt  }
0x85: {  	_ =	shalt  }
0x86: {  	_ =	shalt  }
0x87: {  	_ =	shalt  }
.Lfunc_end0:
.L_simem_size_0:
called_computation.1_lowered:
.L_overlay_start_0:
0x88: {  	s2 =	sld [smem:$0x3FD9]  }
0x89: {  	s3 =	sld [smem:$0x3FFE];
	_ =	sdelay $0x1  }
0x8a: {  	s1 =	srdreg.scid  }
0x8b: {  	s0 =	sand.u32 $0x1, s1  }
0x8c: {  	s17 =	sshll.u32 s0, $0xA;
	s2 =	sadd.s32 s3, s2  }
0x8d: {  	s2 =	sadd.s32 s2, s17  }
0x8e: {  	[smem:$0x3FC6] =	sst s2  }
0x8f: {  	_ = 	snop  }
0x90: {  	s2 =	sld [smem:$0x3FD0];
	(tm) =	ssettm $0x1  }
0x91: {  	s18 =	sld [smem:$0x3FFB];
	_ =	sdelay $0x3  }
0x92: {  	_ =	strace s18  }
0x93: {  	s3 =	sld [smem:$0x3FFC];
	_ =	sdelay $0x3  }
0x94: {  	_ =	strace s3  }
0x95: {  	s3 =	sld [smem:$0x3FFD];
	_ =	sdelay $0x3  }
0x96: {  	_ =	strace s3  }
0x97: {  	_ =	strace $0x8FFFFFFF  }
0x98: {  	s19 =	sld [smem:$0x3FDB];
	_ =	sdelay $0x1  }
0x99: {  	s4 =	simm.s32 $_scs_section_size  }
0x9a: {  	s5 =	simm.s32 $_size__tile_overlayer_lowered;
	s6 =	simm.s32 $_tile_overlayer_lowered  }
0x9b: {  	s22 =	simm.s32 $0x1BFF;
	s21 =	sshll.u32 s6, $0x1;
	s3 =	sadd.s32 s4, s19  }
0x9c: {  	s7 =	simm.s32 $0x0;
	s20 =	sshll.u32 s5, $0x1;
	s5 =	sadd.s32 s21, s3  }
0x9d: {  	[timem:s7], [sflag:s22] =	dma.local [hbm:s5], s20  }
0x9e: {  	_ =	swait.ge [sflag:s22], s20  }
0x9f: {  	s4 =	ssub.s32 $0x0, s20;
	[sflag:s22] =	ssyncset.done $0x0  }
0xa0: {  	[sflag:s22] =	ssyncadd.s32 s4;
	_ =	sdelay $0x1  }
0xa1: {  	s23 =	simm.s32 $0x1B8B  }
0xa2: {  	_ =	swait.ge [sflag:s23], $0x1  }
0xa3: {  	[sflag:s23] =	ssyncset.done $0x0  }
0xa4: {  	s25 =	simm.s32 $0x1B8E;
	s24 =	sld [smem:$0x3FFE];
	[sflag:s23] =	ssyncadd.s32 $0xFFFFFFFF  }
0xa5: {  	s26 =	simm.s32 $execute0_lowered;
	[smem:$0x3FD2] =	sst s25  }
0xa6: {  	s5 =	sshll.u32 s26, $0x1;
	_ =	strace $0x80000046;
	[dreg:$0x1] =	wrdreg $0xFFFFFFFF  }
0xa7: {  	s28 =	simm.s32 $_size_execute0_lowered;
	s3 =	sadd.s32 s3, s5;
	[dreg:$0x0] =	wrdreg $0x0  }
0xa8: {  	s5 =	sshll.u32 s28, $0x1;
	[dreg:$0x2] =	wrdreg s3  }
0xa9: {  	[dreg:$0x3] =	wrdreg s5  }
0xaa: {  	[dreg:$0x4] =	wrdreg $0xC0  }
0xab: {  	_ =	task [dreg:s7], $0x5FFFF  }
0xac: {  	[dreg:$0x1] =	wrdreg $0xFFFFFFFF  }
0xad: {  	[dreg:$0x0] =	wrdreg $0x60  }
0xae: {  	[dreg:$0x2] =	wrdreg s24  }
0xaf: {  	[dreg:$0x3] =	wrdreg s2  }
0xb0: {  	[dreg:$0x4] =	wrdreg $0x9  }
0xb1: {  	_ =	task.clear_ibuf [dreg:s7], $0x5FFFF;
	_ =	strace $0x90000046  }
0xb2: {  	s29 =	simm.s32 $0x9;
	_ =	strace $0x80000048  }
0xb3: {  	_ =	swait.ge [sflag:s29], $0x1  }
0xb4: {  	[sflag:s29] =	ssyncadd.s32 $0xFFFFFFFF  }
0xb5: {  	_ =	strace $0x90000048  }
0xb6: {  	_ =	sfence  }
0xb7: {  	s30 =	sld [smem:$0x0];
	_ =	sdelay $0x2  }
0xb8: {  	s31 =	sshll.u32 s1, $0xD;
	s1 =	sshrl.u32 s1, $0x2  }
0xb9: {  	s3 =	sand.u32 $0x4000, s31;
	s1 =	sadd.s32 s1, s30  }
0xba: {  	s0 =	sor.u32 s3, s0;
	s1 =	sshll.u32 s1, $0x11  }
0xbb: {  	s0 =	sor.u32 s1, s0  }
0xbc: {  	s0 =	sadd.s32 $0x8F2B, s0  }
0xbd: {  	[sflag:s0] =	ssyncadd.remote.s32 $0x1  }
0xbe: {  	_ =	sfence.sel $0xFFFF  }
0xbf: {  	[dreg:$0x0] =	wrdreg $0xFFFFFFFF;
	(pc) =	sbr.abs _section_cstart, $3  }
0xc0: {  	[dreg:$0x1] =	wrdreg $0xFFFFFFFF  }
0xc1: {  	_ =	task.clear_ibuf [dreg:s7], $0x2FFFF;
	_ =	strace $0x9FFFFFFF  }
0xc2: {  	(tm) =	ssettm $0x7FFFFFFF  }
0xc3: {  	_ =	shalt  }
tec
execute0_lowered:
.L_overlay_start_1:
0x0: {  	(tag) =	ssettag $0x1  }
0x1: {  	s0 =	rddreg [dreg:$0x0];
	s1 =	srdreg.scid  }
0x2: {  	s8 =	stileid.u32;
	s9 =	rddreg [dreg:$0x1];
	s3 =	simm.s32 $0x0  }
0x3: {  	s29 =	simm.s32 $0xB;
	s1 =	sand.u32 $0x1, s1;
	s2 =	sshll.u32 s8, $0x1  }
0x4: {  	s31 =	simm.s32 $0x4;
	s8 =	smul.u32 $0x190, s8;
	s2 =	sor.u32 s1, s2  }
0x5: {  	s10 =	simm.s32 $0xE;
	s11 =	simm.s32 $0x7;
	s4 =	smul.u32 $0xC80, s2  }
0x6: {  	s12 =	simm.s32 $0xF;
	s13 =	simm.s32 $0x8;
	s5 =	smul.u32 $0x190000, s2  }
0x7: {  	[smem:$0x7FF] =	sst s3;
	s7 =	ssub.s32 $0x2, s1;
	s2 =	smul.u32 $0x32000, s2  }
0x8: {  	_ =	strace $0x80000047;
	s17 =	sshrl.u32 s7, $0x1;
	s6 =	sadd.s32 s4, s0  }
0x9: {  	s4 =	sadd.s32 $0xF42E00, s0;
	s0 =	ssub.s32 s7, s17;
	s2 =	sadd.s32 s9, s2  }
0xa: {  	s5 =	sshrl.u32 s5, $0x3;
	s6 =	sadd.s32 $0xA00, s6;
	[dreg:$0x8] =	wrdreg s2  }
0xb: {  	s5 =	sadd.s32 s9, s5;
	s0 =	smax.u32 s0, $0x1;
	[dreg:$0x7] =	wrdreg s6  }
0xc: {  	s1 =	smul.u32 $0xC8, s1;
	s18 =	sadd.s32 $0x30400, s5;
	[dreg:$0x10] =	wrdreg s0  }
0xd: {  	s14 =	simm.s32 $0x10;
	s19 =	sadd.s32 $0x30800, s5;
	[dreg:$0x9] =	wrdreg s18  }
0xe: {  	s1 =	sadd.s32 s1, s8;
	s20 =	sadd.s32 $0x30C00, s5;
	[dreg:$0xa] =	wrdreg s19  }
0xf: {  	s17 =	simm.s32 $0x80;
	s22 =	sadd.s32 $0x31000, s5;
	[dreg:$0xb] =	wrdreg s20  }
0x10: {  	s7 =	simm.s32 $0xD;
	s24 =	sadd.s32 $0x31400, s5;
	[dreg:$0xc] =	wrdreg s22  }
0x11: {  	s9 =	simm.s32 $0x6;
	s26 =	sadd.s32 $0x31800, s5;
	[dreg:$0xd] =	wrdreg s24  }
0x12: {  	s30 =	sadd.s32 $0x31C00, s5;
	s18 =	sshll.u32 s1, $0xA;
	[dreg:$0xe] =	wrdreg s26  }
0x13: {  	s5 =	simm.s32 $0xC;
	[dreg:$0xf] =	wrdreg s30;
	s21 =	sor.u32 $0x1800, s18  }
0x14: {  	s6 =	simm.s32 $0x5;
	s23 =	sor.u32 $0x1000, s18;
	[dreg:$0x3] =	wrdreg s21  }
0x15: {  	s0 =	simm.s32 $0x0;
	s25 =	sor.u32 $0x800, s18;
	[dreg:$0x4] =	wrdreg s23  }
0x16: {  	s22 =	simm.s32 $0x1;
	s28 =	sadd.s32 $0x2000, s18;
	[dreg:$0x5] =	wrdreg s25  }
0x17: {  	s24 =	simm.s32 $0xA;
	s26 =	simm.s32 $0x3;
	[dreg:$0x6] =	wrdreg s28  }
.LBB2_1:
0x18: {  	[dreg:$0x11] =	wrdreg s0  }
0x19: {  	s2 =	rddreg [dreg:$0x7];
	s28 =	simm.s32 $0x11  }
0x1a: {  	[tilespmem:s3], [sflag:$0x11] =	stream.linear.gather [hbm4b:s2+s3], $0x6400, $0x38;
	[tilespmem:$0x16400] =	vst v63  }
0x1b: {  	_ =	swait.ge [sflag:s28], $0x6400  }
0x1c: {  	[sflag:s28] =	ssyncset.done $0x0  }
0x1d: {  	s8 =	simm.s32 $0x6400;
	[sflag:s28] =	ssyncadd.s32 $0xFFFF9C00  }
0x1e: {  	[tilespmem:s8], [sflag:$0x1] =	stream.indirect.gather [hbm4b:s4+s17], $0x40, s3, s17, $0xb8;
	[tilespmem:$0x16400] =	vst v63  }
0x1f: {  	s16 =	simm.s32 $0x8400  }
0x20: {  	[tilespmem:s16], [sflag:$0x2] =	stream.indirect.gather [hbm4b:s4+s17], $0x40, s17, s17, $0xb8;
	[tilespmem:$0x16400] =	vst v63  }
0x21: {  	s30 =	simm.s32 $0x100;
	s19 =	simm.s32 $0xA400  }
0x22: {  	[tilespmem:s19], [sflag:$0x3] =	stream.indirect.gather [hbm4b:s4+s17], $0x40, s30, s17, $0xb8;
	[tilespmem:$0x16400] =	vst v63  }
0x23: {  	s0 =	simm.s32 $0x180;
	s21 =	simm.s32 $0xC400  }
0x24: {  	[tilespmem:s21], [sflag:$0x4] =	stream.indirect.gather [hbm4b:s4+s17], $0x40, s0, s17, $0xb8;
	[tilespmem:$0x16400] =	vst v63  }
0x25: {  	s1 =	simm.s32 $0x200;
	s23 =	simm.s32 $0xE400  }
0x26: {  	[tilespmem:s23], [sflag:$0x5] =	stream.indirect.gather [hbm4b:s4+s17], $0x40, s1, s17, $0xb8;
	[tilespmem:$0x16400] =	vst v63  }
0x27: {  	s25 =	simm.s32 $0x10400;
	s1 =	simm.s32 $0x280  }
0x28: {  	[tilespmem:s25], [sflag:$0x6] =	stream.indirect.gather [hbm4b:s4+s17], $0x40, s1, s17, $0xb8;
	[tilespmem:$0x16400] =	vst v63  }
0x29: {  	s2 =	simm.s32 $0x300;
	s1 =	simm.s32 $0x12400  }
0x2a: {  	[tilespmem:s1], [sflag:$0x7] =	stream.indirect.gather [hbm4b:s4+s17], $0x40, s2, s17, $0xb8;
	[tilespmem:$0x16400] =	vst v63  }
0x2b: {  	s15 =	simm.s32 $0x380;
	s20 =	simm.s32 $0x14400  }
0x2c: {  	[tilespmem:s20], [sflag:$0x8] =	stream.indirect.gather [hbm4b:s4+s17], $0x40, s15, s17, $0xb8;
	[tilespmem:$0x16400] =	vst v63  }
0x2d: {  	_ =	swait.ge [sflag:s22], $0x2000  }
0x2e: {  	[sflag:s22] =	ssyncset.done $0x0  }
0x2f: {  	s30 =	simm.s32 $0x9;
	s28 =	rddreg [dreg:$0x8];
	[sflag:s22] =	ssyncadd.s32 $0xFFFFE000  }
0x30: {  	[hbm4b:s28+s3] =	stream.linear.scatter [tilespmem:s8], [sflag:$0x9], $0x2000, $0x38;
	[tilespmem:$0x16400] =	vst v63  }
0x31: {  	_ =	swait.ge [sflag:s30], $0x2000  }
0x32: {  	[sflag:s30] =	ssyncset.done $0x0  }
0x33: {  	s0 =	simm.s32 $0x400;
	[sflag:s30] =	ssyncadd.s32 $0xFFFFE000  }
0x34: {  	[tilespmem:s8], [sflag:$0x1] =	stream.indirect.gather [hbm4b:s4+s17], $0x40, s0, s17, $0xb8;
	[tilespmem:$0x16400] =	vst v63  }
0x35: {  	s8 =	simm.s32 $0x2  }
0x36: {  	_ =	swait.ge [sflag:s8], $0x2000  }
0x37: {  	[sflag:s8] =	ssyncset.done $0x0  }
0x38: {  	s15 =	rddreg [dreg:$0x1]  }
0x39: {  	s2 =	sadd.s32 s15, s18  }
0x3a: {  	[sflag:s8] =	ssyncadd.s32 $0xFFFFE000;
	s28 =	sadd.s32 $0x400, s2  }
0x3b: {  	[hbm4b:s28+s3] =	stream.linear.scatter [tilespmem:s16], [sflag:$0xA], $0x2000, $0x38;
	[tilespmem:$0x16400] =	vst v63  }
0x3c: {  	_ =	swait.ge [sflag:s24], $0x2000  }
0x3d: {  	[sflag:s24] =	ssyncset.done $0x0  }
0x3e: {  	s30 =	simm.s32 $0x480;
	[sflag:s24] =	ssyncadd.s32 $0xFFFFE000  }
0x3f: {  	[tilespmem:s16], [sflag:$0x2] =	stream.indirect.gather [hbm4b:s4+s17], $0x40, s30, s17, $0xb8;
	[tilespmem:$0x16400] =	vst v63  }
0x40: {  	_ =	swait.ge [sflag:s26], $0x2000  }
0x41: {  	s0 =	rddreg [dreg:$0x5];
	[sflag:s26] =	ssyncset.done $0x0  }
0x42: {  	[sflag:s26] =	ssyncadd.s32 $0xFFFFE000;
	s8 =	sadd.s32 s15, s0  }
0x43: {  	[hbm4b:s8+s3] =	stream.linear.scatter [tilespmem:s19], [sflag:$0xB], $0x2000, $0x38;
	[tilespmem:$0x16400] =	vst v63  }
0x44: {  	_ =	swait.ge [sflag:s29], $0x2000  }
0x45: {  	[sflag:s29] =	ssyncset.done $0x0  }
0x46: {  	s16 =	simm.s32 $0x500;
	[sflag:s29] =	ssyncadd.s32 $0xFFFFE000  }
0x47: {  	[tilespmem:s19], [sflag:$0x3] =	stream.indirect.gather [hbm4b:s4+s17], $0x40, s16, s17, $0xb8;
	[tilespmem:$0x16400] =	vst v63  }
0x48: {  	_ =	swait.ge [sflag:s31], $0x2000  }
0x49: {  	[sflag:s31] =	ssyncset.done $0x0  }
0x4a: {  	s28 =	sadd.s32 $0xC00, s2;
	[sflag:s31] =	ssyncadd.s32 $0xFFFFE000  }
0x4b: {  	[hbm4b:s28+s3] =	stream.linear.scatter [tilespmem:s21], [sflag:$0xC], $0x2000, $0x38;
	[tilespmem:$0x16400] =	vst v63  }
0x4c: {  	_ =	swait.ge [sflag:s5], $0x2000  }
0x4d: {  	[sflag:s5] =	ssyncset.done $0x0  }
0x4e: {  	s30 =	simm.s32 $0x580;
	[sflag:s5] =	ssyncadd.s32 $0xFFFFE000  }
0x4f: {  	[tilespmem:s21], [sflag:$0x4] =	stream.indirect.gather [hbm4b:s4+s17], $0x40, s30, s17, $0xb8;
	[tilespmem:$0x16400] =	vst v63  }
0x50: {  	_ =	swait.ge [sflag:s6], $0x2000  }
0x51: {  	s0 =	rddreg [dreg:$0x4];
	[sflag:s6] =	ssyncset.done $0x0  }
0x52: {  	[sflag:s6] =	ssyncadd.s32 $0xFFFFE000;
	s8 =	sadd.s32 s15, s0  }
0x53: {  	[hbm4b:s8+s3] =	stream.linear.scatter [tilespmem:s23], [sflag:$0xD], $0x2000, $0x38;
	[tilespmem:$0x16400] =	vst v63  }
0x54: {  	_ =	swait.ge [sflag:s7], $0x2000  }
0x55: {  	[sflag:s7] =	ssyncset.done $0x0  }
0x56: {  	s16 =	simm.s32 $0x600;
	[sflag:s7] =	ssyncadd.s32 $0xFFFFE000  }
0x57: {  	[tilespmem:s23], [sflag:$0x5] =	stream.indirect.gather [hbm4b:s4+s17], $0x40, s16, s17, $0xb8;
	[tilespmem:$0x16400] =	vst v63  }
0x58: {  	_ =	swait.ge [sflag:s9], $0x2000  }
0x59: {  	[sflag:s9] =	ssyncset.done $0x0  }
0x5a: {  	s19 =	sadd.s32 $0x1400, s2;
	[sflag:s9] =	ssyncadd.s32 $0xFFFFE000  }
0x5b: {  	[hbm4b:s19+s3] =	stream.linear.scatter [tilespmem:s25], [sflag:$0xE], $0x2000, $0x38;
	[tilespmem:$0x16400] =	vst v63  }
0x5c: {  	_ =	swait.ge [sflag:s10], $0x2000  }
0x5d: {  	[sflag:s10] =	ssyncset.done $0x0  }
0x5e: {  	s21 =	simm.s32 $0x680;
	[sflag:s10] =	ssyncadd.s32 $0xFFFFE000  }
0x5f: {  	[tilespmem:s25], [sflag:$0x6] =	stream.indirect.gather [hbm4b:s4+s17], $0x40, s21, s17, $0xb8;
	[tilespmem:$0x16400] =	vst v63  }
0x60: {  	_ =	swait.ge [sflag:s11], $0x2000  }
0x61: {  	s23 =	rddreg [dreg:$0x3];
	[sflag:s11] =	ssyncset.done $0x0  }
0x62: {  	[sflag:s11] =	ssyncadd.s32 $0xFFFFE000;
	s8 =	sadd.s32 s15, s23  }
0x63: {  	[hbm4b:s8+s3] =	stream.linear.scatter [tilespmem:s1], [sflag:$0xF], $0x2000, $0x38;
	[tilespmem:$0x16400] =	vst v63  }
0x64: {  	_ =	swait.ge [sflag:s12], $0x2000  }
0x65: {  	[sflag:s12] =	ssyncset.done $0x0  }
0x66: {  	s25 =	simm.s32 $0x700;
	[sflag:s12] =	ssyncadd.s32 $0xFFFFE000  }
0x67: {  	[tilespmem:s1], [sflag:$0x7] =	stream.indirect.gather [hbm4b:s4+s17], $0x40, s25, s17, $0xb8;
	[tilespmem:$0x16400] =	vst v63  }
0x68: {  	_ =	swait.ge [sflag:s13], $0x2000  }
0x69: {  	[sflag:s13] =	ssyncset.done $0x0  }
0x6a: {  	s2 =	sadd.s32 $0x1C00, s2;
	[sflag:s13] =	ssyncadd.s32 $0xFFFFE000  }
0x6b: {  	[hbm4b:s2+s3] =	stream.linear.scatter [tilespmem:s20], [sflag:$0x10], $0x2000, $0x38;
	[tilespmem:$0x16400] =	vst v63  }
0x6c: {  	_ =	swait.ge [sflag:s14], $0x2000  }
0x6d: {  	[sflag:s14] =	ssyncset.done $0x0  }
0x6e: {  	s28 =	simm.s32 $0x780;
	[sflag:s14] =	ssyncadd.s32 $0xFFFFE000  }
0x6f: {  	[tilespmem:s20], [sflag:$0x8] =	stream.indirect.gather [hbm4b:s4+s17], $0x40, s28, s17, $0xb8;
	[tilespmem:$0x16400] =	vst v63  }
0x70: {  	s16 =	simm.s32 $0x1000;
	_ =	swait.ge [sflag:s22], $0x2000  }
0x71: {  	s2 =	sadd.s32 $0x2000, s15;
	s30 =	rddreg [dreg:$0x6];
	[sflag:s22] =	ssyncset.done $0x0  }
0x72: {  	[sflag:s22] =	ssyncadd.s32 $0xFFFFE000;
	s8 =	sadd.s32 s15, s30;
	s22 =	simm.s32 $0x1  }
.LBB2_2:
0x73: {  	s19 =	simm.s32 $0x6400;
	s0 =	simm.s32 $0x9  }
0x74: {  	[hbm4b:s8+s3] =	stream.linear.scatter [tilespmem:s19], [sflag:$0x9], $0x2000, $0x38;
	[tilespmem:$0x16400] =	vst v63  }
0x75: {  	s15 =	smov.u32 s16;
	_ =	swait.ge [sflag:s0], $0x2000  }
0x76: {  	s15 =	sshra.s32 s15, $0x2;
	[sflag:s0] =	ssyncset.done $0x0  }
0x77: {  	s20 =	simm.s32 $0x2;
	s8 =	sadd.s32 $0x400, s15;
	[sflag:s0] =	ssyncadd.s32 $0xFFFFE000  }
0x78: {  	[tilespmem:s19], [sflag:$0x1] =	stream.indirect.gather [hbm4b:s4+s17], $0x40, s8, s17, $0xb8;
	[tilespmem:$0x16400] =	vst v63  }
0x79: {  	_ =	swait.ge [sflag:s20], $0x2000  }
0x7a: {  	s8 =	sadd.s32 s2, s18;
	[sflag:s20] =	ssyncset.done $0x0  }
0x7b: {  	s25 =	simm.s32 $0x8400;
	s23 =	sadd.s32 $0x400, s8;
	[sflag:s20] =	ssyncadd.s32 $0xFFFFE000  }
0x7c: {  	[hbm4b:s23+s3] =	stream.linear.scatter [tilespmem:s25], [sflag:$0xA], $0x2000, $0x38;
	[tilespmem:$0x16400] =	vst v63  }
0x7d: {  	_ =	swait.ge [sflag:s24], $0x2000  }
0x7e: {  	[sflag:s24] =	ssyncset.done $0x0  }
0x7f: {  	s0 =	sadd.s32 $0x480, s15;
	[sflag:s24] =	ssyncadd.s32 $0xFFFFE000  }
0x80: {  	[tilespmem:s25], [sflag:$0x2] =	stream.indirect.gather [hbm4b:s4+s17], $0x40, s0, s17, $0xb8;
	[tilespmem:$0x16400] =	vst v63  }
0x81: {  	_ =	swait.ge [sflag:s26], $0x2000  }
0x82: {  	s28 =	simm.s32 $0xA400;
	s1 =	rddreg [dreg:$0x5];
	[sflag:s26] =	ssyncset.done $0x0  }
0x83: {  	s19 =	smov.u32 s18;
	[sflag:s26] =	ssyncadd.s32 $0xFFFFE000;
	s18 =	sadd.s32 s2, s1  }
0x84: {  	[hbm4b:s18+s3] =	stream.linear.scatter [tilespmem:s28], [sflag:$0xB], $0x2000, $0x38;
	[tilespmem:$0x16400] =	vst v63  }
0x85: {  	_ =	swait.ge [sflag:s29], $0x2000  }
0x86: {  	[sflag:s29] =	ssyncset.done $0x0  }
0x87: {  	s20 =	sadd.s32 $0x500, s15;
	[sflag:s29] =	ssyncadd.s32 $0xFFFFE000  }
0x88: {  	[tilespmem:s28], [sflag:$0x3] =	stream.indirect.gather [hbm4b:s4+s17], $0x40, s20, s17, $0xb8;
	[tilespmem:$0x16400] =	vst v63  }
0x89: {  	_ =	swait.ge [sflag:s31], $0x2000  }
0x8a: {  	[sflag:s31] =	ssyncset.done $0x0  }
0x8b: {  	s30 =	simm.s32 $0xC400;
	s0 =	sadd.s32 $0xC00, s8;
	[sflag:s31] =	ssyncadd.s32 $0xFFFFE000  }
0x8c: {  	[hbm4b:s0+s3] =	stream.linear.scatter [tilespmem:s30], [sflag:$0xC], $0x2000, $0x38;
	[tilespmem:$0x16400] =	vst v63  }
0x8d: {  	_ =	swait.ge [sflag:s5], $0x2000  }
0x8e: {  	[sflag:s5] =	ssyncset.done $0x0  }
0x8f: {  	s1 =	sadd.s32 $0x580, s15;
	[sflag:s5] =	ssyncadd.s32 $0xFFFFE000  }
0x90: {  	[tilespmem:s30], [sflag:$0x4] =	stream.indirect.gather [hbm4b:s4+s17], $0x40, s1, s17, $0xb8;
	[tilespmem:$0x16400] =	vst v63  }
0x91: {  	_ =	swait.ge [sflag:s6], $0x2000  }
0x92: {  	s20 =	rddreg [dreg:$0x4];
	[sflag:s6] =	ssyncset.done $0x0  }
0x93: {  	s1 =	simm.s32 $0xE400;
	[sflag:s6] =	ssyncadd.s32 $0xFFFFE000;
	s18 =	sadd.s32 s2, s20  }
0x94: {  	[hbm4b:s18+s3] =	stream.linear.scatter [tilespmem:s1], [sflag:$0xD], $0x2000, $0x38;
	[tilespmem:$0x16400] =	vst v63  }
0x95: {  	_ =	swait.ge [sflag:s7], $0x2000  }
0x96: {  	[sflag:s7] =	ssyncset.done $0x0  }
0x97: {  	s0 =	sadd.s32 $0x600, s15;
	[sflag:s7] =	ssyncadd.s32 $0xFFFFE000  }
0x98: {  	[tilespmem:s1], [sflag:$0x5] =	stream.indirect.gather [hbm4b:s4+s17], $0x40, s0, s17, $0xb8;
	[tilespmem:$0x16400] =	vst v63  }
0x99: {  	_ =	swait.ge [sflag:s9], $0x2000  }
0x9a: {  	[sflag:s9] =	ssyncset.done $0x0  }
0x9b: {  	s1 =	sadd.s32 $0x1400, s8;
	s0 =	simm.s32 $0x10400;
	[sflag:s9] =	ssyncadd.s32 $0xFFFFE000  }
0x9c: {  	[hbm4b:s1+s3] =	stream.linear.scatter [tilespmem:s0], [sflag:$0xE], $0x2000, $0x38;
	[tilespmem:$0x16400] =	vst v63  }
0x9d: {  	_ =	swait.ge [sflag:s10], $0x2000  }
0x9e: {  	[sflag:s10] =	ssyncset.done $0x0  }
0x9f: {  	s20 =	sadd.s32 $0x680, s15;
	[sflag:s10] =	ssyncadd.s32 $0xFFFFE000  }
0xa0: {  	[tilespmem:s0], [sflag:$0x6] =	stream.indirect.gather [hbm4b:s4+s17], $0x40, s20, s17, $0xb8;
	[tilespmem:$0x16400] =	vst v63  }
0xa1: {  	_ =	swait.ge [sflag:s11], $0x2000  }
0xa2: {  	s0 =	rddreg [dreg:$0x3];
	[sflag:s11] =	ssyncset.done $0x0  }
0xa3: {  	s20 =	simm.s32 $0x12400;
	[sflag:s11] =	ssyncadd.s32 $0xFFFFE000;
	s18 =	sadd.s32 s2, s0  }
0xa4: {  	[hbm4b:s18+s3] =	stream.linear.scatter [tilespmem:s20], [sflag:$0xF], $0x2000, $0x38;
	[tilespmem:$0x16400] =	vst v63  }
0xa5: {  	_ =	swait.ge [sflag:s12], $0x2000  }
0xa6: {  	[sflag:s12] =	ssyncset.done $0x0  }
0xa7: {  	s18 =	sadd.s32 $0x700, s15;
	[sflag:s12] =	ssyncadd.s32 $0xFFFFE000  }
0xa8: {  	[tilespmem:s20], [sflag:$0x7] =	stream.indirect.gather [hbm4b:s4+s17], $0x40, s18, s17, $0xb8;
	[tilespmem:$0x16400] =	vst v63  }
0xa9: {  	p0 =	sne.s32 s16, $0x17000;
	s16 =	sadd.s32 $0x1000, s16;
	_ =	swait.ge [sflag:s13], $0x2000  }
0xaa: {  	s21 =	simm.s32 $0x6400;
	s8 =	sadd.s32 $0x1C00, s8;
	[sflag:s13] =	ssyncset.done $0x0  }
0xab: {  	s18 =	smov.u32 s19;
	s19 =	simm.s32 $0x14400;
	[sflag:s13] =	ssyncadd.s32 $0xFFFFE000  }
0xac: {  	[hbm4b:s8+s3] =	stream.linear.scatter [tilespmem:s19], [sflag:$0x10], $0x2000, $0x38;
	[tilespmem:$0x16400] =	vst v63  }
0xad: {  	s23 =	simm.s32 $0x8400;
	s25 =	simm.s32 $0xA400;
	_ =	swait.ge [sflag:s14], $0x2000  }
0xae: {  	s28 =	simm.s32 $0xC400;
	s30 =	simm.s32 $0xE400;
	[sflag:s14] =	ssyncset.done $0x0  }
.Ltmp0:
0xaf: {  	s20 =	sadd.s32 $0x780, s15;
	[sflag:s14] =	ssyncadd.s32 $0xFFFFE000;
	(pc) =	sbr.rel @p0 .LBB2_2-.Ltmp0, $4  }
0xb0: {  	[tilespmem:s19], [sflag:$0x8] =	stream.indirect.gather [hbm4b:s4+s17], $0x40, s20, s17, $0xb8;
	[tilespmem:$0x16400] =	vst v63  }
0xb1: {  	s1 =	simm.s32 $0x10400;
	s0 =	simm.s32 $0x12400;
	_ =	swait.ge [sflag:s22], $0x2000  }
0xb2: {  	s15 =	simm.s32 $0x14400;
	[sflag:s22] =	ssyncset.done $0x0;
	s20 =	rddreg [dreg:$0x6]  }
0xb3: {  	[sflag:s22] =	ssyncadd.s32 $0xFFFFE000;
	s8 =	sadd.s32 s2, s20;
	s2 =	sadd.s32 $0x2000, s2  }
0xb4: {  	[hbm4b:s8+s3] =	stream.linear.scatter [tilespmem:s21], [sflag:$0x9], $0x2000, $0x38;
	[tilespmem:$0x16400] =	vst v63  }
0xb5: {  	s2 =	simm.s32 $0x2  }
0xb6: {  	_ =	swait.ge [sflag:s2], $0x2000  }
0xb7: {  	[sflag:s2] =	ssyncset.done $0x0  }
0xb8: {  	s8 =	rddreg [dreg:$0x9];
	[sflag:s2] =	ssyncadd.s32 $0xFFFFE000  }
0xb9: {  	[hbm4b:s8+s3] =	stream.linear.scatter [tilespmem:s23], [sflag:$0xA], $0x2000, $0x38;
	[tilespmem:$0x16400] =	vst v63  }
0xba: {  	_ =	swait.ge [sflag:s26], $0x2000  }
0xbb: {  	[sflag:s26] =	ssyncset.done $0x0  }
0xbc: {  	s16 =	rddreg [dreg:$0xa];
	[sflag:s26] =	ssyncadd.s32 $0xFFFFE000  }
0xbd: {  	[hbm4b:s16+s3] =	stream.linear.scatter [tilespmem:s25], [sflag:$0xB], $0x2000, $0x38;
	[tilespmem:$0x16400] =	vst v63  }
0xbe: {  	_ =	swait.ge [sflag:s31], $0x2000  }
0xbf: {  	[sflag:s31] =	ssyncset.done $0x0  }
0xc0: {  	s19 =	rddreg [dreg:$0xb];
	[sflag:s31] =	ssyncadd.s32 $0xFFFFE000  }
0xc1: {  	[hbm4b:s19+s3] =	stream.linear.scatter [tilespmem:s28], [sflag:$0xC], $0x2000, $0x38;
	[tilespmem:$0x16400] =	vst v63  }
0xc2: {  	_ =	swait.ge [sflag:s6], $0x2000  }
0xc3: {  	[sflag:s6] =	ssyncset.done $0x0  }
0xc4: {  	s20 =	rddreg [dreg:$0xc];
	[sflag:s6] =	ssyncadd.s32 $0xFFFFE000  }
0xc5: {  	[hbm4b:s20+s3] =	stream.linear.scatter [tilespmem:s30], [sflag:$0xD], $0x2000, $0x38;
	[tilespmem:$0x16400] =	vst v63  }
0xc6: {  	_ =	swait.ge [sflag:s9], $0x2000  }
0xc7: {  	[sflag:s9] =	ssyncset.done $0x0  }
0xc8: {  	s21 =	rddreg [dreg:$0xd];
	[sflag:s9] =	ssyncadd.s32 $0xFFFFE000  }
0xc9: {  	[hbm4b:s21+s3] =	stream.linear.scatter [tilespmem:s1], [sflag:$0xE], $0x2000, $0x38;
	[tilespmem:$0x16400] =	vst v63  }
0xca: {  	_ =	swait.ge [sflag:s11], $0x2000  }
0xcb: {  	[sflag:s11] =	ssyncset.done $0x0  }
0xcc: {  	s22 =	rddreg [dreg:$0xe];
	[sflag:s11] =	ssyncadd.s32 $0xFFFFE000  }
0xcd: {  	[hbm4b:s22+s3] =	stream.linear.scatter [tilespmem:s0], [sflag:$0xF], $0x2000, $0x38;
	[tilespmem:$0x16400] =	vst v63  }
0xce: {  	_ =	swait.ge [sflag:s13], $0x2000  }
0xcf: {  	[sflag:s13] =	ssyncset.done $0x0  }
0xd0: {  	s25 =	simm.s32 $0x9;
	s23 =	rddreg [dreg:$0xf];
	[sflag:s13] =	ssyncadd.s32 $0xFFFFE000  }
0xd1: {  	[hbm4b:s23+s3] =	stream.linear.scatter [tilespmem:s15], [sflag:$0x10], $0x2000, $0x38;
	[tilespmem:$0x16400] =	vst v63  }
0xd2: {  	_ =	swait.ge [sflag:s25], $0x2000  }
0xd3: {  	[sflag:s25] =	ssyncset.done $0x0  }
0xd4: {  	[sflag:s25] =	ssyncadd.s32 $0xFFFFE000  }
0xd5: {  	_ =	swait.ge [sflag:s24], $0x2000  }
0xd6: {  	[sflag:s24] =	ssyncset.done $0x0  }
0xd7: {  	[sflag:s24] =	ssyncadd.s32 $0xFFFFE000  }
0xd8: {  	_ =	swait.ge [sflag:s29], $0x2000  }
0xd9: {  	[sflag:s29] =	ssyncset.done $0x0  }
0xda: {  	[sflag:s29] =	ssyncadd.s32 $0xFFFFE000  }
0xdb: {  	_ =	swait.ge [sflag:s5], $0x2000  }
0xdc: {  	[sflag:s5] =	ssyncset.done $0x0  }
0xdd: {  	[sflag:s5] =	ssyncadd.s32 $0xFFFFE000  }
0xde: {  	_ =	swait.ge [sflag:s7], $0x2000  }
0xdf: {  	[sflag:s7] =	ssyncset.done $0x0  }
0xe0: {  	[sflag:s7] =	ssyncadd.s32 $0xFFFFE000  }
0xe1: {  	_ =	swait.ge [sflag:s10], $0x2000  }
0xe2: {  	[sflag:s10] =	ssyncset.done $0x0  }
0xe3: {  	[sflag:s10] =	ssyncadd.s32 $0xFFFFE000  }
0xe4: {  	_ =	swait.ge [sflag:s12], $0x2000  }
0xe5: {  	[sflag:s12] =	ssyncset.done $0x0  }
0xe6: {  	[sflag:s12] =	ssyncadd.s32 $0xFFFFE000  }
0xe7: {  	_ =	swait.ge [sflag:s14], $0x2000  }
0xe8: {  	s28 =	rddreg [dreg:$0x11]  }
0xe9: {  	s30 =	rddreg [dreg:$0x10];
	s0 =	sadd.s32 $0x1, s28  }
0xea: {  	p0 =	sne.s32 s0, s30  }
.Ltmp1:
0xeb: {  	_ = 	snop;
	(pc) =	sbr.rel @p0 .LBB2_1-.Ltmp1, $3  }
0xec: {  	_ =	sdelay $0x1  }
0xed: {  	[sflag:s14] =	ssyncset.done $0x0  }
0xee: {  	s22 =	simm.s32 $0x1;
	[sflag:s14] =	ssyncadd.s32 $0xFFFFE000  }
0xef: {  	_ =	sfence.sel $0x180000  }
0xf0: {  	[bflag:$0x0] =	sbarrier.arrive $0xFFFF  }
0xf1: {  	_ =	strace $0x90000047  }
0xf2: {  	s0 =	stileid.u32;
	[bflag:$0x2] =	sbarrier.arrive $0xFFFF  }
0xf3: {  	p0 =	sne.s32 s0, $0x0;
	s0 =	rddreg [dreg:$0x2]  }
0xf4: {  	s0 =	sadd.s32 @!p0 $0x100000, s0  }
0xf5: {  	[sflag:s0] =	ssyncadd.tile.s32 @!p0 $0x1;
	_ =	shalt  }
.Lfunc_end2:
_tile_overlayer_lowered:
.L_overlay_start_2:
0xf6: {  	(tag) =	ssettag $0x2  }
0xf7: {  	s0 =	rddreg [dreg:$0x0];
	s2 =	stileid.u32  }
0xf8: {  	s1 =	rddreg [dreg:$0x1];
	p0 =	sne.s32 s2, $0x0  }
0xf9: {  	s3 =	rddreg [dreg:$0x2];
	[bflag:$0x3] =	sbarrier.arrive $0xFFFF;
	s2 =	simm.s32 @!p0 $0x1C11  }
0xfa: {  	[timem:s3], [sflag:s2] =	dma.local @!p0 [hbm:s0], s1  }
0xfb: {  	s0 =	simm.s32 @!p0 $0x11  }
0xfc: {  	_ =	swait.ge @!p0 [sflag:s0], s1  }
0xfd: {  	s1 =	ssub.s32 @!p0 $0x0, s1;
	[sflag:s0] =	ssyncset.done @!p0 $0x0  }
0xfe: {  	[sflag:s0] =	ssyncadd.s32 @!p0 s1  }
0xff: {  	[bflag:$0x3] =	sbarrier.arrive $0xFFFF  }
0x100: {  	_ =	shalt  }

// kernel: sparse-core-data-format-call.cloned.1.call-start
scs
called_computation_lowered:
.L_overlay_start_0:
0x0: {  	s2 =	sld [smem:$0x3FD9]  }
0x1: {  	s3 =	sld [smem:$0x3FFE];
	_ =	sdelay $0x1  }
0x2: {  	s1 =	srdreg.scid  }
0x3: {  	s0 =	sand.u32 $0x1, s1  }
0x4: {  	s18 =	sshll.u32 s0, $0xA;
	s2 =	sadd.s32 s3, s2  }
0x5: {  	s2 =	sadd.s32 s2, s18  }
0x6: {  	[smem:$0x3FC6] =	sst s2  }
0x7: {  	_ = 	snop  }
0x8: {  	s2 =	sld [smem:$0x3FD0];
	(tm) =	ssettm $0x1  }
0x9: {  	s19 =	sld [smem:$0x3FFB];
	_ =	sdelay $0x3  }
0xa: {  	_ =	strace s19  }
0xb: {  	s3 =	sld [smem:$0x3FFC];
	_ =	sdelay $0x3  }
0xc: {  	_ =	strace s3  }
0xd: {  	s3 =	sld [smem:$0x3FFD];
	_ =	sdelay $0x3  }
0xe: {  	_ =	strace s3  }
0xf: {  	_ =	strace $0x8FFFFFFF  }
0x10: {  	s20 =	sld [smem:$0x3FDB];
	_ =	sdelay $0x1  }
0x11: {  	s4 =	simm.s32 $_scs_section_size  }
0x12: {  	s5 =	simm.s32 $_size__tile_overlayer_lowered;
	s6 =	simm.s32 $_tile_overlayer_lowered  }
0x13: {  	s23 =	simm.s32 $0x1BFF;
	s22 =	sshll.u32 s6, $0x1;
	s3 =	sadd.s32 s4, s20  }
0x14: {  	s7 =	simm.s32 $0x0;
	s21 =	sshll.u32 s5, $0x1;
	s5 =	sadd.s32 s22, s3  }
0x15: {  	[timem:s7], [sflag:s23] =	dma.local [hbm:s5], s21  }
0x16: {  	_ =	swait.ge [sflag:s23], s21  }
0x17: {  	s4 =	ssub.s32 $0x0, s21;
	[sflag:s23] =	ssyncset.done $0x0  }
0x18: {  	[sflag:s23] =	ssyncadd.s32 s4;
	_ =	sdelay $0x1  }
0x19: {  	s24 =	simm.s32 $0x1B8B  }
0x1a: {  	_ =	swait.ge [sflag:s24], $0x1  }
0x1b: {  	[sflag:s24] =	ssyncset.done $0x0  }
0x1c: {  	s26 =	simm.s32 $0x1B8E;
	s25 =	sld [smem:$0x3FFE];
	[sflag:s24] =	ssyncadd.s32 $0xFFFFFFFF  }
0x1d: {  	s27 =	simm.s32 $execute0_lowered;
	[smem:$0x3FD2] =	sst s26  }
0x1e: {  	s5 =	sshll.u32 s27, $0x1;
	_ =	strace $0x80000049;
	[dreg:$0x1] =	wrdreg $0xFFFFFFFF  }
0x1f: {  	s28 =	simm.s32 $_size_execute0_lowered;
	s3 =	sadd.s32 s3, s5;
	[dreg:$0x0] =	wrdreg $0x0  }
0x20: {  	s5 =	sshll.u32 s28, $0x1;
	[dreg:$0x2] =	wrdreg s3  }
0x21: {  	[dreg:$0x3] =	wrdreg s5  }
0x22: {  	[dreg:$0x4] =	wrdreg $0xC0  }
0x23: {  	_ =	task [dreg:s7], $0x5FFFF  }
0x24: {  	[dreg:$0x1] =	wrdreg $0xFFFFFFFF  }
0x25: {  	[dreg:$0x0] =	wrdreg $0x60  }
0x26: {  	[dreg:$0x2] =	wrdreg s25  }
0x27: {  	[dreg:$0x3] =	wrdreg s2  }
0x28: {  	[dreg:$0x4] =	wrdreg $0x9  }
0x29: {  	_ =	task.clear_ibuf [dreg:s7], $0x5FFFF;
	_ =	strace $0x90000049  }
0x2a: {  	s29 =	simm.s32 $0x9;
	_ =	strace $0x8000004B  }
0x2b: {  	_ =	swait.ge [sflag:s29], $0x1  }
0x2c: {  	[sflag:s29] =	ssyncadd.s32 $0xFFFFFFFF  }
0x2d: {  	_ =	strace $0x9000004B  }
0x2e: {  	_ =	sfence  }
0x2f: {  	s30 =	sld [smem:$0x0];
	_ =	sdelay $0x2  }
0x30: {  	s31 =	sshll.u32 s1, $0xD;
	s1 =	sshrl.u32 s1, $0x2  }
0x31: {  	s3 =	sand.u32 $0x4000, s31;
	s1 =	sadd.s32 s1, s30  }
0x32: {  	s0 =	sor.u32 s3, s0;
	s1 =	sshll.u32 s1, $0x11  }
0x33: {  	s0 =	sor.u32 s1, s0  }
0x34: {  	s0 =	sadd.s32 $0x8F2B, s0  }
0x35: {  	[sflag:s0] =	ssyncadd.remote.s32 $0x1  }
0x36: {  	_ =	sfence.sel $0xFFFF  }
0x37: {  	[dreg:$0x0] =	wrdreg $0xFFFFFFFF;
	(pc) =	sbr.abs _section_cstart, $3  }
0x38: {  	[dreg:$0x1] =	wrdreg $0xFFFFFFFF  }
0x39: {  	_ =	task.clear_ibuf [dreg:s7], $0x2FFFF;
	_ =	strace $0x9FFFFFFF  }
0x3a: {  	(tm) =	ssettm $0x7FFFFFFF  }
0x3b: {  	_ =	shalt  }
tec
execute0_lowered:
.L_overlay_start_1:
0x0: {  	(tag) =	ssettag $0x1  }
0x1: {  	s0 =	srdreg.scid  }
0x2: {  	s1 =	sshll.u32 s0, $0x4  }
0x3: {  	s0 =	stileid.u32;
	s1 =	sand.u32 $0x10, s1  }
0x4: {  	s1 =	sor.u32 s0, s1  }
0x5: {  	s6 =	rddreg [dreg:$0x0];
	s4 =	simm.s32 $0x1;
	s2 =	sshll.u32 s1, $0x7  }
0x6: {  	s7 =	simm.s32 $0x2;
	s12 =	simm.s32 $0x0;
	s1 =	ssub.s32 $0x4000, s2  }
0x7: {  	s8 =	simm.s32 $0x20000;
	s13 =	simm.s32 $0x0;
	s3 =	sand.u32 $0xF80, s1  }
0x8: {  	s9 =	simm.s32 $0x0;
	s5 =	sshrl.u32 s1, $0xC;
	p0 =	sne.s32 s3, $0x0  }
.Ltmp0:
0x9: {  	s1 =	rddreg [dreg:$0x2];
	s4 =	simm.s32 @!p0 $0x0;
	(pc) =	sbr.rel .LBB1_1-.Ltmp0, $4  }
0xa: {  	s11 =	simm.s32 $0x0;
	s3 =	rddreg [dreg:$0x1];
	s5 =	sadd.s32 s4, s5  }
0xb: {  	_ =	strace $0x8000004A;
	s4 =	simm.s32 $0x1;
	s5 =	smul.u32 $0x32, s5  }
0xc: {  	s6 =	sadd.s32 $0xA00, s6;
	s10 =	smov.u32 s2;
	[sflag:s4] =	ssyncpa.u1 $0x0  }
0xd: {  	p0 =	por $0x0, $0x0;
	[sflag:s7] =	ssyncpa.u1 $0x0;
	s7 =	sor.u32 $0x1, s5  }
.LBB1_4:
0xe: {  	s16 =	sshll.u32 s13, $0x3;
	s17 =	sand.u32 $0x78, s13  }
0xf: {  	s30 =	sand.u32 $0x1F800, s13;
	s12 =	sshll.u32 s12, $0x11;
	s16 =	sand.u32 $0x3C00, s16  }
0x10: {  	[tilespmem:s15+$0x810 ss:$0x81] =	vst.msk $0xffff, v2;
	s31 =	sand.u32 $0x7, s13;
	s16 =	sor.u32 s17, s16;
	s17 =	sadd.s32 s3, s30  }
0x11: {  	[tilespmem:s15+$0x1020 ss:$0x81] =	vst.msk $0xffff, v0;
	s13 =	sshll.u32 s31, $0x12;
	s12 =	sadd.s32 s12, s17;
	s16 =	sshrl.u32 s16, $0x3  }
0x12: {  	[tilespmem:s15+$0x0 ss:$0x81] =	vst.msk $0xffff, v1;
	s13 =	sor.u32 $0x400, s13;
	s12 =	sadd.s32 s16, s12  }
0x13: {  	[hbm4b:s12+s13] =	stream.strided.scatter [tilespmem:s14], [sflag:$0x2], $0x2000, s8, s13, $0x20;
	[tilespmem:$0x8080] =	vst v63  }
.LBB1_5:
0x14: {  	s14 =	sadd.s32 $0x1, s9  }
0x15: {  	s12 =	sadd.s32 $0x1000, s10;
	s16 =	smov.u32 s10;
	p2 =	sgt.s32 s14, $0x31  }
0x16: {  	s16 =	smov.u32 @p2 s12  }
0x17: {  	s14 =	simm.s32 @p2 $0x0;
	p2 =	sgt.s32 s16, $0x3FFF  }
0x18: {  	s16 =	smov.u32 @p2 s2;
	p2 =	sne.s32 s11, s7  }
.Ltmp1:
0x19: {  	p1 =	slt.u32 s11, $0x2;
	(pc) =	sbr.rel @!p2 .LBB1_6-.Ltmp1, $4  }
0x1a: {  	s15 =	simm.s32 @!p1 $0x2  }
0x1b: {  	s13 =	smov.u32 s10;
	p0 =	por !p0, !p0;
	_ =	swait.ge @!p1 [sflag:s15], $0x2000  }
0x1c: {  	s12 =	smov.u32 s9;
	[sflag:s15] =	ssyncset.done @!p1 $0x0;
	s9 =	smov.u32 s14  }
0x1d: {  	s11 =	sadd.s32 $0x1, s11;
	[sflag:s15] =	ssyncadd.s32 @!p1 $0xFFFFE000;
	s10 =	smov.u32 s16  }
.LBB1_1:
0x1e: {  	p1 =	sge.u32 s11, s5  }
0x1f: {  	s14 =	sand.u32 @!p1 $0x1FFFFFF, s9  }
0x20: {  	s15 =	smulhi.u32 @!p1 $0x4924925, s14;
	_ =	sdelay $0x1  }
0x21: {  	s15 =	smul.u32 @!p1 $0x38, s15  }
0x22: {  	s16 =	sxor.u32 @!p1 $0xFFFFFFFF, s11;
	s17 =	smul.u32 @!p1 $0x380, s10  }
0x23: {  	s31 =	sadd.s32 $0xFFFFFFFF, s11;
	s16 =	sshll.u32 @!p1 s16, $0xD;
	s14 =	ssub.s32 @!p1 s14, s15  }
0x24: {  	s15 =	sand.u32 @!p1 $0x2000, s16;
	s16 =	sadd.s32 @!p1 s6, s17;
	s14 =	sshll.u32 @!p1 s14, $0x4  }
0x25: {  	s17 =	simm.s32 @!p1 $0x1C00;
	s14 =	sadd.s32 @!p1 s14, s16;
	s16 =	simm.s32 @!p1 $0x40  }
0x26: {  	[tilespmem:s15], [sflag:$0x1] =	stream.strided.gather @!p1 [hbm4b:s14+s16], $0x2000, s17, s16, $0x38;
	[tilespmem:$0x8080] =	vst v63  }
0x27: {  	p1 =	sge.u32 s31, s5  }
.Ltmp2:
0x28: {  	_ = 	snop;
	(pc) =	sbr.rel @p1 .LBB1_5-.Ltmp2, $1  }
0x29: {  	_ =	sdelay $0x3  }
0x2a: {  	s14 =	simm.s32 $0x1  }
0x2b: {  	_ =	swait.ge [sflag:s4], $0x2000;
	s14 =	simm.s32 @!p0 $0x0  }
0x2c: {  	[sflag:s4] =	ssyncset.done $0x0;
	s15 =	sshll.u32 s14, $0xD  }
0x2d: {  	[sflag:s4] =	ssyncadd.s32 $0xFFFFE000;
	s18 =	sor.u32 $0x20, s15  }
0x2e: {  	s14 =	smul.u32 $0x8100, s14;
	v3 =	vld [tilespmem:s18+$0x10]  }
0x2f: {  	s30 =	sand.u32 $0x1, s11;
	v2 =	vld [tilespmem:s18+$0xFFFFFFF0]  }
0x30: {  	s15 =	smul.u32 $0x8100, s30;
	s14 =	sshrl.u32 s14, $0x2;
	v0 =	vld [tilespmem:s18+$0x0]  }
0x31: {  	v1 =	vld [tilespmem:s18+$0xFFFFFFE0];
	s16 =	sor.u32 $0x4000, s14  }
0x32: {  	s31 =	sshrl.u32 s15, $0x2;
	s15 =	sadd.s32 $0x0, s16  }
0x33: {  	s17 =	simm.s32 $0x4;
	s18 =	sadd.s32 $0x40, s18;
	s14 =	sor.u32 $0x4000, s31;
	[tilespmem:s15+$0x1830 ss:$0x81] =	vst.msk $0xffff, v3  }
.LBB1_3:
0x34: {  	v3 =	vld [tilespmem:s18+$0x10];
	p1 =	sne.s32 s17, $0x1FC;
	[tilespmem:s15+$0x810 ss:$0x81] =	vst.msk $0xffff, v2;
	s19 =	smov.u32 s17;
	s17 =	sadd.s32 $0x4, s17  }
.Ltmp3:
0x35: {  	v2 =	vld [tilespmem:s18+$0xFFFFFFF0];
	[tilespmem:s15+$0x1020 ss:$0x81] =	vst.msk $0xffff, v0;
	(pc) =	sbr.rel @p1 .LBB1_3-.Ltmp3, $4  }
0x36: {  	v0 =	vld [tilespmem:s18+$0x0];
	[tilespmem:s15+$0x0 ss:$0x81] =	vst.msk $0xffff, v1  }
0x37: {  	s15 =	sshra.s32 s19, $0x2;
	v1 =	vld [tilespmem:s18+$0xFFFFFFE0]  }
0x38: {  	s15 =	sadd.s32 s15, s16  }
0x39: {  	s18 =	sadd.s32 $0x40, s18;
	[tilespmem:s15+$0x1830 ss:$0x81] =	vst.msk $0xffff, v3  }
.Ltmp4:
0x3a: {  	_ = 	snop;
	(pc) =	sbr.rel .LBB1_4-.Ltmp4, $1  }
0x3b: {  	_ =	sdelay $0x3  }
.LBB1_6:
0x3c: {  	_ =	sfence.sel $0x180000  }
0x3d: {  	s2 =	simm.s32 $0x1;
	[bflag:$0x0] =	sbarrier.arrive $0xFFFF  }
0x3e: {  	s31 =	simm.s32 $0x2;
	[sflag:s2] =	ssyncpa.u1 $0x1  }
0x3f: {  	[sflag:s31] =	ssyncpa.u1 $0x1  }
0x40: {  	p0 =	sne.s32 s0, $0x0;
	_ =	strace $0x9000004A  }
0x41: {  	s0 =	sadd.s32 @!p0 $0x100000, s1;
	[bflag:$0x2] =	sbarrier.arrive $0xFFFF  }
0x42: {  	[sflag:s0] =	ssyncadd.tile.s32 @!p0 $0x1;
	_ =	shalt  }
.Lfunc_end1:
_tile_overlayer_lowered:
.L_overlay_start_2:
0x43: {  	(tag) =	ssettag $0x2  }
0x44: {  	s0 =	rddreg [dreg:$0x0];
	s2 =	stileid.u32  }
0x45: {  	s1 =	rddreg [dreg:$0x1];
	p0 =	sne.s32 s2, $0x0  }
0x46: {  	s3 =	rddreg [dreg:$0x2];
	[bflag:$0x3] =	sbarrier.arrive $0xFFFF;
	s2 =	simm.s32 @!p0 $0x1C01  }
0x47: {  	[timem:s3], [sflag:s2] =	dma.local @!p0 [hbm:s0], s1  }
0x48: {  	s0 =	simm.s32 @!p0 $0x1  }
0x49: {  	_ =	swait.ge @!p0 [sflag:s0], s1  }
0x4a: {  	s1 =	ssub.s32 @!p0 $0x0, s1;
	[sflag:s0] =	ssyncset.done @!p0 $0x0  }
0x4b: {  	[sflag:s0] =	ssyncadd.s32 @!p0 s1  }
0x4c: {  	[bflag:$0x3] =	sbarrier.arrive $0xFFFF  }
0x4d: {  	_ =	shalt  }

</sc_bundles>
